<compile_context>
chip_gen: v7x
topology: tpu7x:2x2x1
jax: 0.10.2.dev20260603
libtpu: 0.0.44.dev20260713+nightly
codegen_flags: <defaults>
</compile_context>

<pallas_src>
import functools
import jax
import jax.numpy as jnp
from jax import lax
from jax.experimental import pallas as pl
from jax.experimental.pallas import tpu as pltpu
from jax.experimental.pallas import tpu_sc as plsc

_NC, _NS, _L = 2, 16, 16
_NW = _NC * _NS


def _rotation_consts(B, C, dtype):
    key = jax.random.key(42)
    _, k_flip, k_perm = jax.random.split(key, 3)
    flip_index = jax.random.bernoulli(k_flip, 0.5, (B * C,)).astype(jnp.int32)
    ones = jnp.ones(B * C, dtype=dtype)
    flip = jnp.where(flip_index == 0, -ones, ones)
    rotate_axis = jax.random.permutation(k_perm, C).astype(jnp.int32)
    return flip, rotate_axis


def kernel(x):
    B, T, C = x.shape
    flip, perm = _rotation_consts(B, C, x.dtype)
    G = C // _L
    R = 128
    NCH = T // R
    BPW = B // _NW
    TOT = BPW * NCH
    mesh = plsc.VectorSubcoreMesh(
        core_axis_name="c", subcore_axis_name="s", num_cores=_NC, num_subcores=_NS
    )

    @functools.partial(
        pl.kernel,
        mesh=mesh,
        out_type=jax.ShapeDtypeStruct((B, T, C), x.dtype),
        scratch_types=[
            pltpu.VMEM((R, C), jnp.float32),
            pltpu.VMEM((R, C), jnp.float32),
            pltpu.VMEM((R, C), jnp.float32),
            pltpu.VMEM((R, C), jnp.float32),
            pltpu.VMEM((BPW * C,), jnp.float32),
            pltpu.VMEM((C,), jnp.int32),
            pltpu.SemaphoreType.DMA,
            pltpu.SemaphoreType.DMA,
            pltpu.SemaphoreType.DMA,
            pltpu.SemaphoreType.DMA,
        ],
        compiler_params=pltpu.CompilerParams(needs_layout_passes=False),
    )
    def run(x_hbm, s_hbm, p_hbm, o_hbm, in0, in1, out0, out1, s_v, p_v,
            si0, si1, so0, so1):
        inb = (in0, in1)
        outb = (out0, out1)
        sin = (si0, si1)
        sout = (so0, so1)
        wid = lax.axis_index("s") * _NC + lax.axis_index("c")
        base = wid * BPW
        pltpu.sync_copy(p_hbm, p_v)
        pltpu.sync_copy(s_hbm.at[pl.ds(base * C, BPW * C)], s_v)
        pgs = [p_v[pl.ds(g * _L, _L)] for g in range(G)]
        sgs = [[s_v[pl.ds(k * C + g * _L, _L)] for g in range(G)]
               for k in range(BPW)]
        zrow = jax.lax.broadcast(jnp.int32(0), (_L,))
        one = jnp.int32(1)

        def src(ch):
            k = ch // NCH
            return base + k, (ch - k * NCH) * R

        b0, o0 = src(0)
        pltpu.async_copy(x_hbm.at[b0, pl.ds(o0, R)], inb[0], sin[0])
        b1, o1 = src(1)
        pltpu.async_copy(x_hbm.at[b1, pl.ds(o1, R)], inb[1], sin[1])

        def half(p, cur, ch):
            bc, oc = src(ch)
            pltpu.make_async_copy(
                x_hbm.at[bc, pl.ds(oc, R)], inb[cur], sin[cur]
            ).wait()

            @pl.when(p > 0)
            def _():
                pltpu.make_async_copy(
                    outb[cur], o_hbm.at[bc, pl.ds(oc, R)], sout[cur]
                ).wait()

            kb = ch // NCH
            sg = [jnp.where(kb == 0, sgs[0][g], sgs[1][g]) for g in range(G)]
            ib = inb[cur]
            ob = outb[cur]

            @plsc.parallel_loop(0, R, step=1, unroll=8, carry=zrow)
            def _rows(r, rs):
                for g in range(G):
                    v = plsc.load_gather(ib, [rs, pgs[g]])
                    ob[r, pl.ds(g * _L, _L)] = v * sg[g]
                return rs + one

            pltpu.async_copy(outb[cur], o_hbm.at[bc, pl.ds(oc, R)], sout[cur])

            @pl.when(ch + 2 < TOT)
            def _():
                bn, on = src(ch + 2)
                pltpu.async_copy(x_hbm.at[bn, pl.ds(on, R)], inb[cur], sin[cur])

        def pair(p, carry):
            half(p, 0, 2 * p)
            half(p, 1, 2 * p + 1)
            return carry

        lax.fori_loop(0, TOT // 2, pair, 0)
        for ch in (TOT - 2, TOT - 1):
            cur = ch % 2
            bc, oc = src(ch)
            pltpu.make_async_copy(
                outb[cur], o_hbm.at[bc, pl.ds(oc, R)], sout[cur]
            ).wait()

    return run(x, flip.reshape(B * C), perm)

# --- scband reference (transcript-rebuilt; emitter-appended) ---
"""Pipeline reference for scband-rotation-47416438948112 (READ-ONLY COPY).

The authoritative reference and input builder live on the scoring server;
editing this copy changes nothing except your own understanding.
"""

import jax, jax.numpy as jnp
import numpy as np

P = 1.0

def setup_inputs(seed: int = 0) -> dict:
    key = jax.random.key(seed)
    x = jax.random.normal(key, (64, 2048, 128), dtype=jnp.float32)
    return {"x": x}

def reference(x):
    # Faithful jax translation of Rotation.forward with p=1.0.
    # torch: if self.p < torch.rand(1): return x  -> with p=1.0 the
    # augmentation branch is always taken (rand in [0,1)).
    key = jax.random.key(42)
    k_gate, k_flip, k_perm = jax.random.split(key, 3)
    u = jax.random.uniform(k_gate, (1,), dtype=x.dtype)
    B, T, C = x.shape
    # torch.multinomial over [0.5, 0.5] with replacement == Bernoulli(0.5) draws of {0,1}
    flip_index = jax.random.bernoulli(k_flip, 0.5, (B * C,)).astype(jnp.int32)
    ones = jnp.ones(B * C, dtype=x.dtype)
    flip = jnp.where(flip_index == 0, -ones, ones)
    # np.random.shuffle(np.arange(C)) -> random permutation of channel axis
    rotate_axis = jax.random.permutation(k_perm, C)
    rotated = flip.reshape(B, 1, C) * jnp.take(x, rotate_axis, axis=2)
    # gate: if p < u return x else rotated
    return jnp.where(P < u[0], x, rotated)

if __name__ == "__main__":
    import jax
    _d = setup_inputs()
    print(jax.jit(kernel)(*tuple(_d.values())))

</pallas_src>

<mosaic_0001>
#map = affine_map<(d0, d1) -> (0, 0, 0)>
#map1 = affine_map<(d0, d1) -> (0)>
module attributes {stable_mosaic.version = 14 : i64} {
  func.func @run(%arg0: i32, %arg1: i32, %arg2: memref<64x2048x128xf32, #tpu.memory_space<hbm>>, %arg3: memref<8192xf32, #tpu.memory_space<hbm>>, %arg4: memref<128xi32, #tpu.memory_space<hbm>>, %arg5: memref<64x2048x128xf32, #tpu.memory_space<hbm>>, %arg6: memref<128x128xf32, #tpu.memory_space<vmem>>, %arg7: memref<128x128xf32, #tpu.memory_space<vmem>>, %arg8: memref<128x128xf32, #tpu.memory_space<vmem>>, %arg9: memref<128x128xf32, #tpu.memory_space<vmem>>, %arg10: memref<256xf32, #tpu.memory_space<vmem>>, %arg11: memref<128xi32, #tpu.memory_space<vmem>>, %arg12: memref<!tpu.dma_semaphore, #tpu.memory_space<semaphore_mem>>, %arg13: memref<!tpu.dma_semaphore, #tpu.memory_space<semaphore_mem>>, %arg14: memref<!tpu.dma_semaphore, #tpu.memory_space<semaphore_mem>>, %arg15: memref<!tpu.dma_semaphore, #tpu.memory_space<semaphore_mem>>) attributes {dimension_semantics = [#tpu.dimension_semantics<core_parallel>, #tpu.dimension_semantics<subcore_parallel>], iteration_bounds = array<i64: 2, 16>, scalar_prefetch = 0 : i64, scratch_operands = 10 : i64, tpu.core_type = #tpu.core_type<sc_vector_subcore>, window_params = [{transform_indices = #map}, {transform_indices = #map1}, {transform_indices = #map1}, {transform_indices = #map}]} {
    %mul3A = arith.constant 2 : i32
    %mul3A_0 = arith.muli %arg1, %mul3A : i32
    %add3A = arith.addi %mul3A_0, %arg0 : i32
    %mul3A_1 = arith.constant 2 : i32
    %mul3A_2 = arith.muli %add3A, %mul3A_1 : i32
    "tpu.region"() ({
      %run_scoped3A = tpu.sem_alloc : memref<!tpu.dma_semaphore, #tpu.memory_space<semaphore_mem>>
      tpu.enqueue_dma source(%arg4 : memref<128xi32, #tpu.memory_space<hbm>>) target(%arg11 : memref<128xi32, #tpu.memory_space<vmem>>) target_semaphore(%run_scoped3A : memref<!tpu.dma_semaphore, #tpu.memory_space<semaphore_mem>>)
      tpu.wait_dma2 semaphore(%run_scoped3A : memref<!tpu.dma_semaphore, #tpu.memory_space<semaphore_mem>>) src(%arg4 : memref<128xi32, #tpu.memory_space<hbm>>) dst(%arg11 : memref<128xi32, #tpu.memory_space<vmem>>)
      tpu.yield
    }) : () -> ()
    %mul3A_3 = arith.constant 128 : i32
    %mul3A_4 = arith.muli %mul3A_2, %mul3A_3 : i32
    "tpu.region"() ({
      %run_scoped3A = tpu.sem_alloc : memref<!tpu.dma_semaphore, #tpu.memory_space<semaphore_mem>>
      %dma_start3A_97 = tpu.memref_slice %arg3[%mul3A_4] : memref<8192xf32, #tpu.memory_space<hbm>> -> memref<256xf32, #tpu.memory_space<hbm>>
      %dma_start3A_98 = tpu.memref_slice %arg3[%mul3A_4] : memref<8192xf32, #tpu.memory_space<hbm>> -> memref<256xf32, #tpu.memory_space<hbm>>
      tpu.enqueue_dma source(%dma_start3A_98 : memref<256xf32, #tpu.memory_space<hbm>>) target(%arg10 : memref<256xf32, #tpu.memory_space<vmem>>) target_semaphore(%run_scoped3A : memref<!tpu.dma_semaphore, #tpu.memory_space<semaphore_mem>>)
      %dma_wait3A_99 = tpu.memref_slice %arg3[%mul3A_4] : memref<8192xf32, #tpu.memory_space<hbm>> -> memref<256xf32, #tpu.memory_space<hbm>>
      %dma_wait3A_100 = tpu.memref_slice %arg3[%mul3A_4] : memref<8192xf32, #tpu.memory_space<hbm>> -> memref<256xf32, #tpu.memory_space<hbm>>
      tpu.wait_dma2 semaphore(%run_scoped3A : memref<!tpu.dma_semaphore, #tpu.memory_space<semaphore_mem>>) src(%dma_wait3A_100 : memref<256xf32, #tpu.memory_space<hbm>>) dst(%arg10 : memref<256xf32, #tpu.memory_space<vmem>>)
      tpu.yield
    }) : () -> ()
    %get3A = arith.constant 0 : index
    %get3A_5 = tpu.vector_load %arg11[%get3A] {strides = array<i32>} : memref<128xi32, #tpu.memory_space<vmem>>, vector<16xi32>,
    %get3A_6 = arith.constant 16 : index
    %get3A_7 = tpu.vector_load %arg11[%get3A_6] {strides = array<i32>} : memref<128xi32, #tpu.memory_space<vmem>>, vector<16xi32>,
    %get3A_8 = arith.constant 32 : index
    %get3A_9 = tpu.vector_load %arg11[%get3A_8] {strides = array<i32>} : memref<128xi32, #tpu.memory_space<vmem>>, vector<16xi32>,
    %get3A_10 = arith.constant 48 : index
    %get3A_11 = tpu.vector_load %arg11[%get3A_10] {strides = array<i32>} : memref<128xi32, #tpu.memory_space<vmem>>, vector<16xi32>,
    %get3A_12 = arith.constant 64 : index
    %get3A_13 = tpu.vector_load %arg11[%get3A_12] {strides = array<i32>} : memref<128xi32, #tpu.memory_space<vmem>>, vector<16xi32>,
    %get3A_14 = arith.constant 80 : index
    %get3A_15 = tpu.vector_load %arg11[%get3A_14] {strides = array<i32>} : memref<128xi32, #tpu.memory_space<vmem>>, vector<16xi32>,
    %get3A_16 = arith.constant 96 : index
    %get3A_17 = tpu.vector_load %arg11[%get3A_16] {strides = array<i32>} : memref<128xi32, #tpu.memory_space<vmem>>, vector<16xi32>,
    %get3A_18 = arith.constant 112 : index
    %get3A_19 = tpu.vector_load %arg11[%get3A_18] {strides = array<i32>} : memref<128xi32, #tpu.memory_space<vmem>>, vector<16xi32>,
    %get3A_20 = arith.constant 0 : index
    %get3A_21 = tpu.vector_load %arg10[%get3A_20] {strides = array<i32>} : memref<256xf32, #tpu.memory_space<vmem>>, vector<16xf32>,
    %get3A_22 = arith.constant 16 : index
    %get3A_23 = tpu.vector_load %arg10[%get3A_22] {strides = array<i32>} : memref<256xf32, #tpu.memory_space<vmem>>, vector<16xf32>,
    %get3A_24 = arith.constant 32 : index
    %get3A_25 = tpu.vector_load %arg10[%get3A_24] {strides = array<i32>} : memref<256xf32, #tpu.memory_space<vmem>>, vector<16xf32>,
    %get3A_26 = arith.constant 48 : index
    %get3A_27 = tpu.vector_load %arg10[%get3A_26] {strides = array<i32>} : memref<256xf32, #tpu.memory_space<vmem>>, vector<16xf32>,
    %get3A_28 = arith.constant 64 : index
    %get3A_29 = tpu.vector_load %arg10[%get3A_28] {strides = array<i32>} : memref<256xf32, #tpu.memory_space<vmem>>, vector<16xf32>,
    %get3A_30 = arith.constant 80 : index
    %get3A_31 = tpu.vector_load %arg10[%get3A_30] {strides = array<i32>} : memref<256xf32, #tpu.memory_space<vmem>>, vector<16xf32>,
    %get3A_32 = arith.constant 96 : index
    %get3A_33 = tpu.vector_load %arg10[%get3A_32] {strides = array<i32>} : memref<256xf32, #tpu.memory_space<vmem>>, vector<16xf32>,
    %get3A_34 = arith.constant 112 : index
    %get3A_35 = tpu.vector_load %arg10[%get3A_34] {strides = array<i32>} : memref<256xf32, #tpu.memory_space<vmem>>, vector<16xf32>,
    %get3A_36 = arith.constant 128 : index
    %get3A_37 = tpu.vector_load %arg10[%get3A_36] {strides = array<i32>} : memref<256xf32, #tpu.memory_space<vmem>>, vector<16xf32>,
    %get3A_38 = arith.constant 144 : index
    %get3A_39 = tpu.vector_load %arg10[%get3A_38] {strides = array<i32>} : memref<256xf32, #tpu.memory_space<vmem>>, vector<16xf32>,
    %get3A_40 = arith.constant 160 : index
    %get3A_41 = tpu.vector_load %arg10[%get3A_40] {strides = array<i32>} : memref<256xf32, #tpu.memory_space<vmem>>, vector<16xf32>,
    %get3A_42 = arith.constant 176 : index
    %get3A_43 = tpu.vector_load %arg10[%get3A_42] {strides = array<i32>} : memref<256xf32, #tpu.memory_space<vmem>>, vector<16xf32>,
    %get3A_44 = arith.constant 192 : index
    %get3A_45 = tpu.vector_load %arg10[%get3A_44] {strides = array<i32>} : memref<256xf32, #tpu.memory_space<vmem>>, vector<16xf32>,
    %get3A_46 = arith.constant 208 : index
    %get3A_47 = tpu.vector_load %arg10[%get3A_46] {strides = array<i32>} : memref<256xf32, #tpu.memory_space<vmem>>, vector<16xf32>,
    %get3A_48 = arith.constant 224 : index
    %get3A_49 = tpu.vector_load %arg10[%get3A_48] {strides = array<i32>} : memref<256xf32, #tpu.memory_space<vmem>>, vector<16xf32>,
    %get3A_50 = arith.constant 240 : index
    %get3A_51 = tpu.vector_load %arg10[%get3A_50] {strides = array<i32>} : memref<256xf32, #tpu.memory_space<vmem>>, vector<16xf32>,
    %broadcast_in_dim3A = arith.constant 0 : i32
    %broadcast_in_dim3A_52 = vector.broadcast %broadcast_in_dim3A : i32 to vector<16xi32>
    %add3A_53 = arith.constant 0 : i32
    %add3A_54 = arith.addi %mul3A_2, %add3A_53 : i32
    %dma_start3A = arith.constant 0 : i32
    %dma_start3A_55 = arith.constant 0 : i32
    %dma_start3A_56 = tpu.memref_slice %arg2[%add3A_54, %dma_start3A, %dma_start3A_55] : memref<64x2048x128xf32, #tpu.memory_space<hbm>> -> memref<1x128x128xf32, #tpu.memory_space<hbm>>
    %dma_start3A_57 = tpu.memref_squeeze %dma_start3A_56 : memref<1x128x128xf32, #tpu.memory_space<hbm>> -> memref<128x128xf32, #tpu.memory_space<hbm>>
    %dma_start3A_58 = arith.constant 0 : i32
    %dma_start3A_59 = arith.constant 0 : i32
    %dma_start3A_60 = tpu.memref_slice %arg2[%add3A_54, %dma_start3A_58, %dma_start3A_59] : memref<64x2048x128xf32, #tpu.memory_space<hbm>> -> memref<1x128x128xf32, #tpu.memory_space<hbm>>
    %dma_start3A_61 = tpu.memref_squeeze %dma_start3A_60 : memref<1x128x128xf32, #tpu.memory_space<hbm>> -> memref<128x128xf32, #tpu.memory_space<hbm>>
    tpu.enqueue_dma source(%dma_start3A_61 : memref<128x128xf32, #tpu.memory_space<hbm>>) target(%arg6 : memref<128x128xf32, #tpu.memory_space<vmem>>) target_semaphore(%arg12 : memref<!tpu.dma_semaphore, #tpu.memory_space<semaphore_mem>>)
    %add3A_62 = arith.constant 0 : i32
    %add3A_63 = arith.addi %mul3A_2, %add3A_62 : i32
    %dma_start3A_64 = arith.constant 128 : i32
    %dma_start3A_65 = arith.constant 0 : i32
    %dma_start3A_66 = tpu.memref_slice %arg2[%add3A_63, %dma_start3A_64, %dma_start3A_65] : memref<64x2048x128xf32, #tpu.memory_space<hbm>> -> memref<1x128x128xf32, #tpu.memory_space<hbm>>
    %dma_start3A_67 = tpu.memref_squeeze %dma_start3A_66 : memref<1x128x128xf32, #tpu.memory_space<hbm>> -> memref<128x128xf32, #tpu.memory_space<hbm>>
    %dma_start3A_68 = arith.constant 128 : i32
    %dma_start3A_69 = arith.constant 0 : i32
    %dma_start3A_70 = tpu.memref_slice %arg2[%add3A_63, %dma_start3A_68, %dma_start3A_69] : memref<64x2048x128xf32, #tpu.memory_space<hbm>> -> memref<1x128x128xf32, #tpu.memory_space<hbm>>
    %dma_start3A_71 = tpu.memref_squeeze %dma_start3A_70 : memref<1x128x128xf32, #tpu.memory_space<hbm>> -> memref<128x128xf32, #tpu.memory_space<hbm>>
    tpu.enqueue_dma source(%dma_start3A_71 : memref<128x128xf32, #tpu.memory_space<hbm>>) target(%arg7 : memref<128x128xf32, #tpu.memory_space<vmem>>) target_semaphore(%arg13 : memref<!tpu.dma_semaphore, #tpu.memory_space<semaphore_mem>>)
    %scan3A = arith.constant 0 : i32
    %scan3A_72 = arith.constant 1 : i32
    %scan3A_73 = arith.constant 0 : i32
    %scan3A_74 = arith.constant 16 : i32
    %scan3A_75 = arith.addi %scan3A_73, %scan3A_74 : i32
    %scan3A_76 = arith.constant 1 : i32
    scf.for %scan3A_97 = %scan3A_73 to %scan3A_75 step %scan3A_76  : i32 {
      %mul3A_98 = arith.constant 2 : i32
      %mul3A_99 = arith.muli %mul3A_98, %scan3A_97 : i32
      %jit3A = arith.constant 16 : i32
      %div3A = arith.divsi %mul3A_99, %jit3A : i32
      %sign3A = arith.constant 0 : i32
      %sign3A_100 = arith.cmpi sgt, %mul3A_99, %sign3A : i32
      %sign3A_101 = arith.extui %sign3A_100 : i1 to i32
      %sign3A_102 = arith.constant 0 : i32
      %sign3A_103 = arith.cmpi slt, %mul3A_99, %sign3A_102 : i32
      %sign3A_104 = arith.extui %sign3A_103 : i1 to i32
      %sign3A_105 = arith.subi %sign3A_101, %sign3A_104 : i32
      %sign3A_106 = arith.constant 0 : i32
      %sign3A_107 = arith.cmpi sgt, %jit3A, %sign3A_106 : i32
      %sign3A_108 = arith.extui %sign3A_107 : i1 to i32
      %sign3A_109 = arith.constant 0 : i32
      %sign3A_110 = arith.cmpi slt, %jit3A, %sign3A_109 : i32
      %sign3A_111 = arith.extui %sign3A_110 : i1 to i32
      %sign3A_112 = arith.subi %sign3A_108, %sign3A_111 : i32
      %ne3A = arith.cmpi ne, %sign3A_105, %sign3A_112 : i32
      %rem3A = arith.remsi %mul3A_99, %jit3A : i32
      %ne3A_113 = arith.constant 0 : i32
      %ne3A_114 = arith.cmpi ne, %rem3A, %ne3A_113 : i32
      %and3A = arith.andi %ne3A, %ne3A_114 : i1
      %sub3A = arith.constant 1 : i32
      %sub3A_115 = arith.subi %div3A, %sub3A : i32
      %select_n3A = arith.select %and3A, %sub3A_115, %div3A : i32
      %add3A_116 = arith.addi %mul3A_2, %select_n3A : i32
      %mul3A_117 = arith.constant 16 : i32
      %mul3A_118 = arith.muli %select_n3A, %mul3A_117 : i32
      %sub3A_119 = arith.subi %mul3A_99, %mul3A_118 : i32
      %mul3A_120 = arith.constant 128 : i32
      %mul3A_121 = arith.muli %sub3A_119, %mul3A_120 : i32
      %dma_wait3A_122 = arith.constant 0 : i32
      %dma_wait3A_123 = tpu.memref_slice %arg2[%add3A_116, %mul3A_121, %dma_wait3A_122] : memref<64x2048x128xf32, #tpu.memory_space<hbm>> -> memref<1x128x128xf32, #tpu.memory_space<hbm>>
      %dma_wait3A_124 = tpu.memref_squeeze %dma_wait3A_123 : memref<1x128x128xf32, #tpu.memory_space<hbm>> -> memref<128x128xf32, #tpu.memory_space<hbm>>
      %dma_wait3A_125 = arith.constant 0 : i32
      %dma_wait3A_126 = tpu.memref_slice %arg2[%add3A_116, %mul3A_121, %dma_wait3A_125] : memref<64x2048x128xf32, #tpu.memory_space<hbm>> -> memref<1x128x128xf32, #tpu.memory_space<hbm>>
      %dma_wait3A_127 = tpu.memref_squeeze %dma_wait3A_126 : memref<1x128x128xf32, #tpu.memory_space<hbm>> -> memref<128x128xf32, #tpu.memory_space<hbm>>
      tpu.wait_dma2 semaphore(%arg12 : memref<!tpu.dma_semaphore, #tpu.memory_space<semaphore_mem>>) src(%dma_wait3A_127 : memref<128x128xf32, #tpu.memory_space<hbm>>) dst(%arg6 : memref<128x128xf32, #tpu.memory_space<vmem>>)
      %gt3A = arith.constant 0 : i32
      %gt3A_128 = arith.cmpi sgt, %scan3A_97, %gt3A : i32
      %convert_element_type3A = arith.extui %gt3A_128 : i1 to i32
      %cond3A = arith.constant 0 : i32
      %cond3A_129 = arith.cmpi ne, %convert_element_type3A, %cond3A : i32
      scf.if %cond3A_129 {
        %dma_wait3A_302 = arith.constant 0 : i32
        %dma_wait3A_303 = tpu.memref_slice %arg5[%add3A_116, %mul3A_121, %dma_wait3A_302] : memref<64x2048x128xf32, #tpu.memory_space<hbm>> -> memref<1x128x128xf32, #tpu.memory_space<hbm>>
        %dma_wait3A_304 = tpu.memref_squeeze %dma_wait3A_303 : memref<1x128x128xf32, #tpu.memory_space<hbm>> -> memref<128x128xf32, #tpu.memory_space<hbm>>
        %dma_wait3A_305 = arith.constant 0 : i32
        %dma_wait3A_306 = tpu.memref_slice %arg5[%add3A_116, %mul3A_121, %dma_wait3A_305] : memref<64x2048x128xf32, #tpu.memory_space<hbm>> -> memref<1x128x128xf32, #tpu.memory_space<hbm>>
        %dma_wait3A_307 = tpu.memref_squeeze %dma_wait3A_306 : memref<1x128x128xf32, #tpu.memory_space<hbm>> -> memref<128x128xf32, #tpu.memory_space<hbm>>
        tpu.wait_dma2 semaphore(%arg14 : memref<!tpu.dma_semaphore, #tpu.memory_space<semaphore_mem>>) src(%arg8 : memref<128x128xf32, #tpu.memory_space<vmem>>) dst(%dma_wait3A_307 : memref<128x128xf32, #tpu.memory_space<hbm>>)
      } else {
      }
      %jit3A_130 = arith.constant 16 : i32
      %div3A_131 = arith.divsi %mul3A_99, %jit3A_130 : i32
      %sign3A_132 = arith.constant 0 : i32
      %sign3A_133 = arith.cmpi sgt, %mul3A_99, %sign3A_132 : i32
      %sign3A_134 = arith.extui %sign3A_133 : i1 to i32
      %sign3A_135 = arith.constant 0 : i32
      %sign3A_136 = arith.cmpi slt, %mul3A_99, %sign3A_135 : i32
      %sign3A_137 = arith.extui %sign3A_136 : i1 to i32
      %sign3A_138 = arith.subi %sign3A_134, %sign3A_137 : i32
      %sign3A_139 = arith.constant 0 : i32
      %sign3A_140 = arith.cmpi sgt, %jit3A_130, %sign3A_139 : i32
      %sign3A_141 = arith.extui %sign3A_140 : i1 to i32
      %sign3A_142 = arith.constant 0 : i32
      %sign3A_143 = arith.cmpi slt, %jit3A_130, %sign3A_142 : i32
      %sign3A_144 = arith.extui %sign3A_143 : i1 to i32
      %sign3A_145 = arith.subi %sign3A_141, %sign3A_144 : i32
      %ne3A_146 = arith.cmpi ne, %sign3A_138, %sign3A_145 : i32
      %rem3A_147 = arith.remsi %mul3A_99, %jit3A_130 : i32
      %ne3A_148 = arith.constant 0 : i32
      %ne3A_149 = arith.cmpi ne, %rem3A_147, %ne3A_148 : i32
      %and3A_150 = arith.andi %ne3A_146, %ne3A_149 : i1
      %sub3A_151 = arith.constant 1 : i32
      %sub3A_152 = arith.subi %div3A_131, %sub3A_151 : i32
      %select_n3A_153 = arith.select %and3A_150, %sub3A_152, %div3A_131 : i32
      %eq3A = arith.constant 0 : i32
      %eq3A_154 = arith.cmpi eq, %select_n3A_153, %eq3A : i32
      %select_n3A_155 = arith.select %eq3A_154, %get3A_21, %get3A_37 : vector<16xf32>
      %eq3A_156 = arith.constant 0 : i32
      %eq3A_157 = arith.cmpi eq, %select_n3A_153, %eq3A_156 : i32
      %select_n3A_158 = arith.select %eq3A_157, %get3A_23, %get3A_39 : vector<16xf32>
      %eq3A_159 = arith.constant 0 : i32
      %eq3A_160 = arith.cmpi eq, %select_n3A_153, %eq3A_159 : i32
      %select_n3A_161 = arith.select %eq3A_160, %get3A_25, %get3A_41 : vector<16xf32>
      %eq3A_162 = arith.constant 0 : i32
      %eq3A_163 = arith.cmpi eq, %select_n3A_153, %eq3A_162 : i32
      %select_n3A_164 = arith.select %eq3A_163, %get3A_27, %get3A_43 : vector<16xf32>
      %eq3A_165 = arith.constant 0 : i32
      %eq3A_166 = arith.cmpi eq, %select_n3A_153, %eq3A_165 : i32
      %select_n3A_167 = arith.select %eq3A_166, %get3A_29, %get3A_45 : vector<16xf32>
      %eq3A_168 = arith.constant 0 : i32
      %eq3A_169 = arith.cmpi eq, %select_n3A_153, %eq3A_168 : i32
      %select_n3A_170 = arith.select %eq3A_169, %get3A_31, %get3A_47 : vector<16xf32>
      %eq3A_171 = arith.constant 0 : i32
      %eq3A_172 = arith.cmpi eq, %select_n3A_153, %eq3A_171 : i32
      %select_n3A_173 = arith.select %eq3A_172, %get3A_33, %get3A_49 : vector<16xf32>
      %eq3A_174 = arith.constant 0 : i32
      %eq3A_175 = arith.cmpi eq, %select_n3A_153, %eq3A_174 : i32
      %select_n3A_176 = arith.select %eq3A_175, %get3A_35, %get3A_51 : vector<16xf32>
      %parallel_loop3A = arith.constant 0 : i32
      %parallel_loop3A_177 = arith.constant 128 : i32
      %parallel_loop3A_178 = arith.constant 1 : i32
      %parallel_loop3A_179 = scf.for %parallel_loop3A_302 = %parallel_loop3A to %parallel_loop3A_177 step %parallel_loop3A_178 iter_args(%parallel_loop3A_303 = %broadcast_in_dim3A_52) -> (vector<16xi32>)  : i32 {
        %parallel_loop3A_304 = tpu.vector_load_idx %arg6[%parallel_loop3A_303, %get3A_5] : memref<128x128xf32, #tpu.memory_space<vmem>>[vector<16xi32>, vector<16xi32>], vector<16xf32>,
        %parallel_loop3A_305 = arith.mulf %parallel_loop3A_304, %select_n3A_155 : vector<16xf32>
        %parallel_loop3A_306 = arith.index_cast %parallel_loop3A_302 : i32 to index
        %parallel_loop3A_307 = arith.constant 0 : index
        %parallel_loop3A_308 = tpu.vector_load %arg8[%parallel_loop3A_306, %parallel_loop3A_307] {strides = array<i32>} : memref<128x128xf32, #tpu.memory_space<vmem>>, vector<16xf32>,
        tpu.vector_store %arg8[%parallel_loop3A_306, %parallel_loop3A_307], %parallel_loop3A_305 {strides = array<i32>} : memref<128x128xf32, #tpu.memory_space<vmem>>, vector<16xf32>,
        %parallel_loop3A_309 = tpu.vector_load_idx %arg6[%parallel_loop3A_303, %get3A_7] : memref<128x128xf32, #tpu.memory_space<vmem>>[vector<16xi32>, vector<16xi32>], vector<16xf32>,
        %parallel_loop3A_310 = arith.mulf %parallel_loop3A_309, %select_n3A_158 : vector<16xf32>
        %parallel_loop3A_311 = arith.index_cast %parallel_loop3A_302 : i32 to index
        %parallel_loop3A_312 = arith.constant 16 : index
        %parallel_loop3A_313 = tpu.vector_load %arg8[%parallel_loop3A_311, %parallel_loop3A_312] {strides = array<i32>} : memref<128x128xf32, #tpu.memory_space<vmem>>, vector<16xf32>,
        tpu.vector_store %arg8[%parallel_loop3A_311, %parallel_loop3A_312], %parallel_loop3A_310 {strides = array<i32>} : memref<128x128xf32, #tpu.memory_space<vmem>>, vector<16xf32>,
        %parallel_loop3A_314 = tpu.vector_load_idx %arg6[%parallel_loop3A_303, %get3A_9] : memref<128x128xf32, #tpu.memory_space<vmem>>[vector<16xi32>, vector<16xi32>], vector<16xf32>,
        %parallel_loop3A_315 = arith.mulf %parallel_loop3A_314, %select_n3A_161 : vector<16xf32>
        %parallel_loop3A_316 = arith.index_cast %parallel_loop3A_302 : i32 to index
        %parallel_loop3A_317 = arith.constant 32 : index
        %parallel_loop3A_318 = tpu.vector_load %arg8[%parallel_loop3A_316, %parallel_loop3A_317] {strides = array<i32>} : memref<128x128xf32, #tpu.memory_space<vmem>>, vector<16xf32>,
        tpu.vector_store %arg8[%parallel_loop3A_316, %parallel_loop3A_317], %parallel_loop3A_315 {strides = array<i32>} : memref<128x128xf32, #tpu.memory_space<vmem>>, vector<16xf32>,
        %parallel_loop3A_319 = tpu.vector_load_idx %arg6[%parallel_loop3A_303, %get3A_11] : memref<128x128xf32, #tpu.memory_space<vmem>>[vector<16xi32>, vector<16xi32>], vector<16xf32>,
        %parallel_loop3A_320 = arith.mulf %parallel_loop3A_319, %select_n3A_164 : vector<16xf32>
        %parallel_loop3A_321 = arith.index_cast %parallel_loop3A_302 : i32 to index
        %parallel_loop3A_322 = arith.constant 48 : index
        %parallel_loop3A_323 = tpu.vector_load %arg8[%parallel_loop3A_321, %parallel_loop3A_322] {strides = array<i32>} : memref<128x128xf32, #tpu.memory_space<vmem>>, vector<16xf32>,
        tpu.vector_store %arg8[%parallel_loop3A_321, %parallel_loop3A_322], %parallel_loop3A_320 {strides = array<i32>} : memref<128x128xf32, #tpu.memory_space<vmem>>, vector<16xf32>,
        %parallel_loop3A_324 = tpu.vector_load_idx %arg6[%parallel_loop3A_303, %get3A_13] : memref<128x128xf32, #tpu.memory_space<vmem>>[vector<16xi32>, vector<16xi32>], vector<16xf32>,
        %parallel_loop3A_325 = arith.mulf %parallel_loop3A_324, %select_n3A_167 : vector<16xf32>
        %parallel_loop3A_326 = arith.index_cast %parallel_loop3A_302 : i32 to index
        %parallel_loop3A_327 = arith.constant 64 : index
        %parallel_loop3A_328 = tpu.vector_load %arg8[%parallel_loop3A_326, %parallel_loop3A_327] {strides = array<i32>} : memref<128x128xf32, #tpu.memory_space<vmem>>, vector<16xf32>,
        tpu.vector_store %arg8[%parallel_loop3A_326, %parallel_loop3A_327], %parallel_loop3A_325 {strides = array<i32>} : memref<128x128xf32, #tpu.memory_space<vmem>>, vector<16xf32>,
        %parallel_loop3A_329 = tpu.vector_load_idx %arg6[%parallel_loop3A_303, %get3A_15] : memref<128x128xf32, #tpu.memory_space<vmem>>[vector<16xi32>, vector<16xi32>], vector<16xf32>,
        %parallel_loop3A_330 = arith.mulf %parallel_loop3A_329, %select_n3A_170 : vector<16xf32>
        %parallel_loop3A_331 = arith.index_cast %parallel_loop3A_302 : i32 to index
        %parallel_loop3A_332 = arith.constant 80 : index
        %parallel_loop3A_333 = tpu.vector_load %arg8[%parallel_loop3A_331, %parallel_loop3A_332] {strides = array<i32>} : memref<128x128xf32, #tpu.memory_space<vmem>>, vector<16xf32>,
        tpu.vector_store %arg8[%parallel_loop3A_331, %parallel_loop3A_332], %parallel_loop3A_330 {strides = array<i32>} : memref<128x128xf32, #tpu.memory_space<vmem>>, vector<16xf32>,
        %parallel_loop3A_334 = tpu.vector_load_idx %arg6[%parallel_loop3A_303, %get3A_17] : memref<128x128xf32, #tpu.memory_space<vmem>>[vector<16xi32>, vector<16xi32>], vector<16xf32>,
        %parallel_loop3A_335 = arith.mulf %parallel_loop3A_334, %select_n3A_173 : vector<16xf32>
        %parallel_loop3A_336 = arith.index_cast %parallel_loop3A_302 : i32 to index
        %parallel_loop3A_337 = arith.constant 96 : index
        %parallel_loop3A_338 = tpu.vector_load %arg8[%parallel_loop3A_336, %parallel_loop3A_337] {strides = array<i32>} : memref<128x128xf32, #tpu.memory_space<vmem>>, vector<16xf32>,
        tpu.vector_store %arg8[%parallel_loop3A_336, %parallel_loop3A_337], %parallel_loop3A_335 {strides = array<i32>} : memref<128x128xf32, #tpu.memory_space<vmem>>, vector<16xf32>,
        %parallel_loop3A_339 = tpu.vector_load_idx %arg6[%parallel_loop3A_303, %get3A_19] : memref<128x128xf32, #tpu.memory_space<vmem>>[vector<16xi32>, vector<16xi32>], vector<16xf32>,
        %parallel_loop3A_340 = arith.mulf %parallel_loop3A_339, %select_n3A_176 : vector<16xf32>
        %parallel_loop3A_341 = arith.index_cast %parallel_loop3A_302 : i32 to index
        %parallel_loop3A_342 = arith.constant 112 : index
        %parallel_loop3A_343 = tpu.vector_load %arg8[%parallel_loop3A_341, %parallel_loop3A_342] {strides = array<i32>} : memref<128x128xf32, #tpu.memory_space<vmem>>, vector<16xf32>,
        tpu.vector_store %arg8[%parallel_loop3A_341, %parallel_loop3A_342], %parallel_loop3A_340 {strides = array<i32>} : memref<128x128xf32, #tpu.memory_space<vmem>>, vector<16xf32>,
        %parallel_loop3A_344 = vector.broadcast %scan3A_72 : i32 to vector<16xi32>
        %parallel_loop3A_345 = arith.addi %parallel_loop3A_303, %parallel_loop3A_344 : vector<16xi32>
        scf.yield %parallel_loop3A_345 : vector<16xi32>
      } {sc.loop_unroll_factor = 8 : i64, sc.parallel_access}
      %dma_start3A_180 = arith.constant 0 : i32
      %dma_start3A_181 = tpu.memref_slice %arg5[%add3A_116, %mul3A_121, %dma_start3A_180] : memref<64x2048x128xf32, #tpu.memory_space<hbm>> -> memref<1x128x128xf32, #tpu.memory_space<hbm>>
      %dma_start3A_182 = tpu.memref_squeeze %dma_start3A_181 : memref<1x128x128xf32, #tpu.memory_space<hbm>> -> memref<128x128xf32, #tpu.memory_space<hbm>>
      %dma_start3A_183 = arith.constant 0 : i32
      %dma_start3A_184 = tpu.memref_slice %arg5[%add3A_116, %mul3A_121, %dma_start3A_183] : memref<64x2048x128xf32, #tpu.memory_space<hbm>> -> memref<1x128x128xf32, #tpu.memory_space<hbm>>
      %dma_start3A_185 = tpu.memref_squeeze %dma_start3A_184 : memref<1x128x128xf32, #tpu.memory_space<hbm>> -> memref<128x128xf32, #tpu.memory_space<hbm>>
      tpu.enqueue_dma source(%arg8 : memref<128x128xf32, #tpu.memory_space<vmem>>) target(%dma_start3A_185 : memref<128x128xf32, #tpu.memory_space<hbm>>) target_semaphore(%arg14 : memref<!tpu.dma_semaphore, #tpu.memory_space<semaphore_mem>>)
      %add3A_186 = arith.constant 2 : i32
      %add3A_187 = arith.addi %mul3A_99, %add3A_186 : i32
      %lt3A = arith.constant 32 : i32
      %lt3A_188 = arith.cmpi slt, %add3A_187, %lt3A : i32
      %convert_element_type3A_189 = arith.extui %lt3A_188 : i1 to i32
      %cond3A_190 = arith.constant 0 : i32
      %cond3A_191 = arith.cmpi ne, %convert_element_type3A_189, %cond3A_190 : i32
      scf.if %cond3A_191 {
        %add3A_302 = arith.constant 2 : i32
        %add3A_303 = arith.addi %mul3A_99, %add3A_302 : i32
        %jit3A_304 = arith.constant 16 : i32
        %div3A_305 = arith.divsi %add3A_303, %jit3A_304 : i32
        %sign3A_306 = arith.constant 0 : i32
        %sign3A_307 = arith.cmpi sgt, %add3A_303, %sign3A_306 : i32
        %sign3A_308 = arith.extui %sign3A_307 : i1 to i32
        %sign3A_309 = arith.constant 0 : i32
        %sign3A_310 = arith.cmpi slt, %add3A_303, %sign3A_309 : i32
        %sign3A_311 = arith.extui %sign3A_310 : i1 to i32
        %sign3A_312 = arith.subi %sign3A_308, %sign3A_311 : i32
        %sign3A_313 = arith.constant 0 : i32
        %sign3A_314 = arith.cmpi sgt, %jit3A_304, %sign3A_313 : i32
        %sign3A_315 = arith.extui %sign3A_314 : i1 to i32
        %sign3A_316 = arith.constant 0 : i32
        %sign3A_317 = arith.cmpi slt, %jit3A_304, %sign3A_316 : i32
        %sign3A_318 = arith.extui %sign3A_317 : i1 to i32
        %sign3A_319 = arith.subi %sign3A_315, %sign3A_318 : i32
        %ne3A_320 = arith.cmpi ne, %sign3A_312, %sign3A_319 : i32
        %rem3A_321 = arith.remsi %add3A_303, %jit3A_304 : i32
        %ne3A_322 = arith.constant 0 : i32
        %ne3A_323 = arith.cmpi ne, %rem3A_321, %ne3A_322 : i32
        %and3A_324 = arith.andi %ne3A_320, %ne3A_323 : i1
        %sub3A_325 = arith.constant 1 : i32
        %sub3A_326 = arith.subi %div3A_305, %sub3A_325 : i32
        %select_n3A_327 = arith.select %and3A_324, %sub3A_326, %div3A_305 : i32
        %add3A_328 = arith.addi %mul3A_2, %select_n3A_327 : i32
        %mul3A_329 = arith.constant 16 : i32
        %mul3A_330 = arith.muli %select_n3A_327, %mul3A_329 : i32
        %sub3A_331 = arith.subi %add3A_303, %mul3A_330 : i32
        %mul3A_332 = arith.constant 128 : i32
        %mul3A_333 = arith.muli %sub3A_331, %mul3A_332 : i32
        %dma_start3A_334 = arith.constant 0 : i32
        %dma_start3A_335 = tpu.memref_slice %arg2[%add3A_328, %mul3A_333, %dma_start3A_334] : memref<64x2048x128xf32, #tpu.memory_space<hbm>> -> memref<1x128x128xf32, #tpu.memory_space<hbm>>
        %dma_start3A_336 = tpu.memref_squeeze %dma_start3A_335 : memref<1x128x128xf32, #tpu.memory_space<hbm>> -> memref<128x128xf32, #tpu.memory_space<hbm>>
        %dma_start3A_337 = arith.constant 0 : i32
        %dma_start3A_338 = tpu.memref_slice %arg2[%add3A_328, %mul3A_333, %dma_start3A_337] : memref<64x2048x128xf32, #tpu.memory_space<hbm>> -> memref<1x128x128xf32, #tpu.memory_space<hbm>>
        %dma_start3A_339 = tpu.memref_squeeze %dma_start3A_338 : memref<1x128x128xf32, #tpu.memory_space<hbm>> -> memref<128x128xf32, #tpu.memory_space<hbm>>
        tpu.enqueue_dma source(%dma_start3A_339 : memref<128x128xf32, #tpu.memory_space<hbm>>) target(%arg6 : memref<128x128xf32, #tpu.memory_space<vmem>>) target_semaphore(%arg12 : memref<!tpu.dma_semaphore, #tpu.memory_space<semaphore_mem>>)
      } else {
      }
      %mul3A_192 = arith.constant 2 : i32
      %mul3A_193 = arith.muli %mul3A_192, %scan3A_97 : i32
      %add3A_194 = arith.constant 1 : i32
      %add3A_195 = arith.addi %mul3A_193, %add3A_194 : i32
      %jit3A_196 = arith.constant 16 : i32
      %div3A_197 = arith.divsi %add3A_195, %jit3A_196 : i32
      %sign3A_198 = arith.constant 0 : i32
      %sign3A_199 = arith.cmpi sgt, %add3A_195, %sign3A_198 : i32
      %sign3A_200 = arith.extui %sign3A_199 : i1 to i32
      %sign3A_201 = arith.constant 0 : i32
      %sign3A_202 = arith.cmpi slt, %add3A_195, %sign3A_201 : i32
      %sign3A_203 = arith.extui %sign3A_202 : i1 to i32
      %sign3A_204 = arith.subi %sign3A_200, %sign3A_203 : i32
      %sign3A_205 = arith.constant 0 : i32
      %sign3A_206 = arith.cmpi sgt, %jit3A_196, %sign3A_205 : i32
      %sign3A_207 = arith.extui %sign3A_206 : i1 to i32
      %sign3A_208 = arith.constant 0 : i32
      %sign3A_209 = arith.cmpi slt, %jit3A_196, %sign3A_208 : i32
      %sign3A_210 = arith.extui %sign3A_209 : i1 to i32
      %sign3A_211 = arith.subi %sign3A_207, %sign3A_210 : i32
      %ne3A_212 = arith.cmpi ne, %sign3A_204, %sign3A_211 : i32
      %rem3A_213 = arith.remsi %add3A_195, %jit3A_196 : i32
      %ne3A_214 = arith.constant 0 : i32
      %ne3A_215 = arith.cmpi ne, %rem3A_213, %ne3A_214 : i32
      %and3A_216 = arith.andi %ne3A_212, %ne3A_215 : i1
      %sub3A_217 = arith.constant 1 : i32
      %sub3A_218 = arith.subi %div3A_197, %sub3A_217 : i32
      %select_n3A_219 = arith.select %and3A_216, %sub3A_218, %div3A_197 : i32
      %add3A_220 = arith.addi %mul3A_2, %select_n3A_219 : i32
      %mul3A_221 = arith.constant 16 : i32
      %mul3A_222 = arith.muli %select_n3A_219, %mul3A_221 : i32
      %sub3A_223 = arith.subi %add3A_195, %mul3A_222 : i32
      %mul3A_224 = arith.constant 128 : i32
      %mul3A_225 = arith.muli %sub3A_223, %mul3A_224 : i32
      %dma_wait3A_226 = arith.constant 0 : i32
      %dma_wait3A_227 = tpu.memref_slice %arg2[%add3A_220, %mul3A_225, %dma_wait3A_226] : memref<64x2048x128xf32, #tpu.memory_space<hbm>> -> memref<1x128x128xf32, #tpu.memory_space<hbm>>
      %dma_wait3A_228 = tpu.memref_squeeze %dma_wait3A_227 : memref<1x128x128xf32, #tpu.memory_space<hbm>> -> memref<128x128xf32, #tpu.memory_space<hbm>>
      %dma_wait3A_229 = arith.constant 0 : i32
      %dma_wait3A_230 = tpu.memref_slice %arg2[%add3A_220, %mul3A_225, %dma_wait3A_229] : memref<64x2048x128xf32, #tpu.memory_space<hbm>> -> memref<1x128x128xf32, #tpu.memory_space<hbm>>
      %dma_wait3A_231 = tpu.memref_squeeze %dma_wait3A_230 : memref<1x128x128xf32, #tpu.memory_space<hbm>> -> memref<128x128xf32, #tpu.memory_space<hbm>>
      tpu.wait_dma2 semaphore(%arg13 : memref<!tpu.dma_semaphore, #tpu.memory_space<semaphore_mem>>) src(%dma_wait3A_231 : memref<128x128xf32, #tpu.memory_space<hbm>>) dst(%arg7 : memref<128x128xf32, #tpu.memory_space<vmem>>)
      %gt3A_232 = arith.constant 0 : i32
      %gt3A_233 = arith.cmpi sgt, %scan3A_97, %gt3A_232 : i32
      %convert_element_type3A_234 = arith.extui %gt3A_233 : i1 to i32
      %cond3A_235 = arith.constant 0 : i32
      %cond3A_236 = arith.cmpi ne, %convert_element_type3A_234, %cond3A_235 : i32
      scf.if %cond3A_236 {
        %dma_wait3A_302 = arith.constant 0 : i32
        %dma_wait3A_303 = tpu.memref_slice %arg5[%add3A_220, %mul3A_225, %dma_wait3A_302] : memref<64x2048x128xf32, #tpu.memory_space<hbm>> -> memref<1x128x128xf32, #tpu.memory_space<hbm>>
        %dma_wait3A_304 = tpu.memref_squeeze %dma_wait3A_303 : memref<1x128x128xf32, #tpu.memory_space<hbm>> -> memref<128x128xf32, #tpu.memory_space<hbm>>
        %dma_wait3A_305 = arith.constant 0 : i32
        %dma_wait3A_306 = tpu.memref_slice %arg5[%add3A_220, %mul3A_225, %dma_wait3A_305] : memref<64x2048x128xf32, #tpu.memory_space<hbm>> -> memref<1x128x128xf32, #tpu.memory_space<hbm>>
        %dma_wait3A_307 = tpu.memref_squeeze %dma_wait3A_306 : memref<1x128x128xf32, #tpu.memory_space<hbm>> -> memref<128x128xf32, #tpu.memory_space<hbm>>
        tpu.wait_dma2 semaphore(%arg15 : memref<!tpu.dma_semaphore, #tpu.memory_space<semaphore_mem>>) src(%arg9 : memref<128x128xf32, #tpu.memory_space<vmem>>) dst(%dma_wait3A_307 : memref<128x128xf32, #tpu.memory_space<hbm>>)
      } else {
      }
      %jit3A_237 = arith.constant 16 : i32
      %div3A_238 = arith.divsi %add3A_195, %jit3A_237 : i32
      %sign3A_239 = arith.constant 0 : i32
      %sign3A_240 = arith.cmpi sgt, %add3A_195, %sign3A_239 : i32
      %sign3A_241 = arith.extui %sign3A_240 : i1 to i32
      %sign3A_242 = arith.constant 0 : i32
      %sign3A_243 = arith.cmpi slt, %add3A_195, %sign3A_242 : i32
      %sign3A_244 = arith.extui %sign3A_243 : i1 to i32
      %sign3A_245 = arith.subi %sign3A_241, %sign3A_244 : i32
      %sign3A_246 = arith.constant 0 : i32
      %sign3A_247 = arith.cmpi sgt, %jit3A_237, %sign3A_246 : i32
      %sign3A_248 = arith.extui %sign3A_247 : i1 to i32
      %sign3A_249 = arith.constant 0 : i32
      %sign3A_250 = arith.cmpi slt, %jit3A_237, %sign3A_249 : i32
      %sign3A_251 = arith.extui %sign3A_250 : i1 to i32
      %sign3A_252 = arith.subi %sign3A_248, %sign3A_251 : i32
      %ne3A_253 = arith.cmpi ne, %sign3A_245, %sign3A_252 : i32
      %rem3A_254 = arith.remsi %add3A_195, %jit3A_237 : i32
      %ne3A_255 = arith.constant 0 : i32
      %ne3A_256 = arith.cmpi ne, %rem3A_254, %ne3A_255 : i32
      %and3A_257 = arith.andi %ne3A_253, %ne3A_256 : i1
      %sub3A_258 = arith.constant 1 : i32
      %sub3A_259 = arith.subi %div3A_238, %sub3A_258 : i32
      %select_n3A_260 = arith.select %and3A_257, %sub3A_259, %div3A_238 : i32
      %eq3A_261 = arith.constant 0 : i32
      %eq3A_262 = arith.cmpi eq, %select_n3A_260, %eq3A_261 : i32
      %select_n3A_263 = arith.select %eq3A_262, %get3A_21, %get3A_37 : vector<16xf32>
      %eq3A_264 = arith.constant 0 : i32
      %eq3A_265 = arith.cmpi eq, %select_n3A_260, %eq3A_264 : i32
      %select_n3A_266 = arith.select %eq3A_265, %get3A_23, %get3A_39 : vector<16xf32>
      %eq3A_267 = arith.constant 0 : i32
      %eq3A_268 = arith.cmpi eq, %select_n3A_260, %eq3A_267 : i32
      %select_n3A_269 = arith.select %eq3A_268, %get3A_25, %get3A_41 : vector<16xf32>
      %eq3A_270 = arith.constant 0 : i32
      %eq3A_271 = arith.cmpi eq, %select_n3A_260, %eq3A_270 : i32
      %select_n3A_272 = arith.select %eq3A_271, %get3A_27, %get3A_43 : vector<16xf32>
      %eq3A_273 = arith.constant 0 : i32
      %eq3A_274 = arith.cmpi eq, %select_n3A_260, %eq3A_273 : i32
      %select_n3A_275 = arith.select %eq3A_274, %get3A_29, %get3A_45 : vector<16xf32>
      %eq3A_276 = arith.constant 0 : i32
      %eq3A_277 = arith.cmpi eq, %select_n3A_260, %eq3A_276 : i32
      %select_n3A_278 = arith.select %eq3A_277, %get3A_31, %get3A_47 : vector<16xf32>
      %eq3A_279 = arith.constant 0 : i32
      %eq3A_280 = arith.cmpi eq, %select_n3A_260, %eq3A_279 : i32
      %select_n3A_281 = arith.select %eq3A_280, %get3A_33, %get3A_49 : vector<16xf32>
      %eq3A_282 = arith.constant 0 : i32
      %eq3A_283 = arith.cmpi eq, %select_n3A_260, %eq3A_282 : i32
      %select_n3A_284 = arith.select %eq3A_283, %get3A_35, %get3A_51 : vector<16xf32>
      %parallel_loop3A_285 = arith.constant 0 : i32
      %parallel_loop3A_286 = arith.constant 128 : i32
      %parallel_loop3A_287 = arith.constant 1 : i32
      %parallel_loop3A_288 = scf.for %parallel_loop3A_302 = %parallel_loop3A_285 to %parallel_loop3A_286 step %parallel_loop3A_287 iter_args(%parallel_loop3A_303 = %broadcast_in_dim3A_52) -> (vector<16xi32>)  : i32 {
        %parallel_loop3A_304 = tpu.vector_load_idx %arg7[%parallel_loop3A_303, %get3A_5] : memref<128x128xf32, #tpu.memory_space<vmem>>[vector<16xi32>, vector<16xi32>], vector<16xf32>,
        %parallel_loop3A_305 = arith.mulf %parallel_loop3A_304, %select_n3A_263 : vector<16xf32>
        %parallel_loop3A_306 = arith.index_cast %parallel_loop3A_302 : i32 to index
        %parallel_loop3A_307 = arith.constant 0 : index
        %parallel_loop3A_308 = tpu.vector_load %arg9[%parallel_loop3A_306, %parallel_loop3A_307] {strides = array<i32>} : memref<128x128xf32, #tpu.memory_space<vmem>>, vector<16xf32>,
        tpu.vector_store %arg9[%parallel_loop3A_306, %parallel_loop3A_307], %parallel_loop3A_305 {strides = array<i32>} : memref<128x128xf32, #tpu.memory_space<vmem>>, vector<16xf32>,
        %parallel_loop3A_309 = tpu.vector_load_idx %arg7[%parallel_loop3A_303, %get3A_7] : memref<128x128xf32, #tpu.memory_space<vmem>>[vector<16xi32>, vector<16xi32>], vector<16xf32>,
        %parallel_loop3A_310 = arith.mulf %parallel_loop3A_309, %select_n3A_266 : vector<16xf32>
        %parallel_loop3A_311 = arith.index_cast %parallel_loop3A_302 : i32 to index
        %parallel_loop3A_312 = arith.constant 16 : index
        %parallel_loop3A_313 = tpu.vector_load %arg9[%parallel_loop3A_311, %parallel_loop3A_312] {strides = array<i32>} : memref<128x128xf32, #tpu.memory_space<vmem>>, vector<16xf32>,
        tpu.vector_store %arg9[%parallel_loop3A_311, %parallel_loop3A_312], %parallel_loop3A_310 {strides = array<i32>} : memref<128x128xf32, #tpu.memory_space<vmem>>, vector<16xf32>,
        %parallel_loop3A_314 = tpu.vector_load_idx %arg7[%parallel_loop3A_303, %get3A_9] : memref<128x128xf32, #tpu.memory_space<vmem>>[vector<16xi32>, vector<16xi32>], vector<16xf32>,
        %parallel_loop3A_315 = arith.mulf %parallel_loop3A_314, %select_n3A_269 : vector<16xf32>
        %parallel_loop3A_316 = arith.index_cast %parallel_loop3A_302 : i32 to index
        %parallel_loop3A_317 = arith.constant 32 : index
        %parallel_loop3A_318 = tpu.vector_load %arg9[%parallel_loop3A_316, %parallel_loop3A_317] {strides = array<i32>} : memref<128x128xf32, #tpu.memory_space<vmem>>, vector<16xf32>,
        tpu.vector_store %arg9[%parallel_loop3A_316, %parallel_loop3A_317], %parallel_loop3A_315 {strides = array<i32>} : memref<128x128xf32, #tpu.memory_space<vmem>>, vector<16xf32>,
        %parallel_loop3A_319 = tpu.vector_load_idx %arg7[%parallel_loop3A_303, %get3A_11] : memref<128x128xf32, #tpu.memory_space<vmem>>[vector<16xi32>, vector<16xi32>], vector<16xf32>,
        %parallel_loop3A_320 = arith.mulf %parallel_loop3A_319, %select_n3A_272 : vector<16xf32>
        %parallel_loop3A_321 = arith.index_cast %parallel_loop3A_302 : i32 to index
        %parallel_loop3A_322 = arith.constant 48 : index
        %parallel_loop3A_323 = tpu.vector_load %arg9[%parallel_loop3A_321, %parallel_loop3A_322] {strides = array<i32>} : memref<128x128xf32, #tpu.memory_space<vmem>>, vector<16xf32>,
        tpu.vector_store %arg9[%parallel_loop3A_321, %parallel_loop3A_322], %parallel_loop3A_320 {strides = array<i32>} : memref<128x128xf32, #tpu.memory_space<vmem>>, vector<16xf32>,
        %parallel_loop3A_324 = tpu.vector_load_idx %arg7[%parallel_loop3A_303, %get3A_13] : memref<128x128xf32, #tpu.memory_space<vmem>>[vector<16xi32>, vector<16xi32>], vector<16xf32>,
        %parallel_loop3A_325 = arith.mulf %parallel_loop3A_324, %select_n3A_275 : vector<16xf32>
        %parallel_loop3A_326 = arith.index_cast %parallel_loop3A_302 : i32 to index
        %parallel_loop3A_327 = arith.constant 64 : index
        %parallel_loop3A_328 = tpu.vector_load %arg9[%parallel_loop3A_326, %parallel_loop3A_327] {strides = array<i32>} : memref<128x128xf32, #tpu.memory_space<vmem>>, vector<16xf32>,
        tpu.vector_store %arg9[%parallel_loop3A_326, %parallel_loop3A_327], %parallel_loop3A_325 {strides = array<i32>} : memref<128x128xf32, #tpu.memory_space<vmem>>, vector<16xf32>,
        %parallel_loop3A_329 = tpu.vector_load_idx %arg7[%parallel_loop3A_303, %get3A_15] : memref<128x128xf32, #tpu.memory_space<vmem>>[vector<16xi32>, vector<16xi32>], vector<16xf32>,
        %parallel_loop3A_330 = arith.mulf %parallel_loop3A_329, %select_n3A_278 : vector<16xf32>
        %parallel_loop3A_331 = arith.index_cast %parallel_loop3A_302 : i32 to index
        %parallel_loop3A_332 = arith.constant 80 : index
        %parallel_loop3A_333 = tpu.vector_load %arg9[%parallel_loop3A_331, %parallel_loop3A_332] {strides = array<i32>} : memref<128x128xf32, #tpu.memory_space<vmem>>, vector<16xf32>,
        tpu.vector_store %arg9[%parallel_loop3A_331, %parallel_loop3A_332], %parallel_loop3A_330 {strides = array<i32>} : memref<128x128xf32, #tpu.memory_space<vmem>>, vector<16xf32>,
        %parallel_loop3A_334 = tpu.vector_load_idx %arg7[%parallel_loop3A_303, %get3A_17] : memref<128x128xf32, #tpu.memory_space<vmem>>[vector<16xi32>, vector<16xi32>], vector<16xf32>,
        %parallel_loop3A_335 = arith.mulf %parallel_loop3A_334, %select_n3A_281 : vector<16xf32>
        %parallel_loop3A_336 = arith.index_cast %parallel_loop3A_302 : i32 to index
        %parallel_loop3A_337 = arith.constant 96 : index
        %parallel_loop3A_338 = tpu.vector_load %arg9[%parallel_loop3A_336, %parallel_loop3A_337] {strides = array<i32>} : memref<128x128xf32, #tpu.memory_space<vmem>>, vector<16xf32>,
        tpu.vector_store %arg9[%parallel_loop3A_336, %parallel_loop3A_337], %parallel_loop3A_335 {strides = array<i32>} : memref<128x128xf32, #tpu.memory_space<vmem>>, vector<16xf32>,
        %parallel_loop3A_339 = tpu.vector_load_idx %arg7[%parallel_loop3A_303, %get3A_19] : memref<128x128xf32, #tpu.memory_space<vmem>>[vector<16xi32>, vector<16xi32>], vector<16xf32>,
        %parallel_loop3A_340 = arith.mulf %parallel_loop3A_339, %select_n3A_284 : vector<16xf32>
        %parallel_loop3A_341 = arith.index_cast %parallel_loop3A_302 : i32 to index
        %parallel_loop3A_342 = arith.constant 112 : index
        %parallel_loop3A_343 = tpu.vector_load %arg9[%parallel_loop3A_341, %parallel_loop3A_342] {strides = array<i32>} : memref<128x128xf32, #tpu.memory_space<vmem>>, vector<16xf32>,
        tpu.vector_store %arg9[%parallel_loop3A_341, %parallel_loop3A_342], %parallel_loop3A_340 {strides = array<i32>} : memref<128x128xf32, #tpu.memory_space<vmem>>, vector<16xf32>,
        %parallel_loop3A_344 = vector.broadcast %scan3A_72 : i32 to vector<16xi32>
        %parallel_loop3A_345 = arith.addi %parallel_loop3A_303, %parallel_loop3A_344 : vector<16xi32>
        scf.yield %parallel_loop3A_345 : vector<16xi32>
      } {sc.loop_unroll_factor = 8 : i64, sc.parallel_access}
      %dma_start3A_289 = arith.constant 0 : i32
      %dma_start3A_290 = tpu.memref_slice %arg5[%add3A_220, %mul3A_225, %dma_start3A_289] : memref<64x2048x128xf32, #tpu.memory_space<hbm>> -> memref<1x128x128xf32, #tpu.memory_space<hbm>>
      %dma_start3A_291 = tpu.memref_squeeze %dma_start3A_290 : memref<1x128x128xf32, #tpu.memory_space<hbm>> -> memref<128x128xf32, #tpu.memory_space<hbm>>
      %dma_start3A_292 = arith.constant 0 : i32
      %dma_start3A_293 = tpu.memref_slice %arg5[%add3A_220, %mul3A_225, %dma_start3A_292] : memref<64x2048x128xf32, #tpu.memory_space<hbm>> -> memref<1x128x128xf32, #tpu.memory_space<hbm>>
      %dma_start3A_294 = tpu.memref_squeeze %dma_start3A_293 : memref<1x128x128xf32, #tpu.memory_space<hbm>> -> memref<128x128xf32, #tpu.memory_space<hbm>>
      tpu.enqueue_dma source(%arg9 : memref<128x128xf32, #tpu.memory_space<vmem>>) target(%dma_start3A_294 : memref<128x128xf32, #tpu.memory_space<hbm>>) target_semaphore(%arg15 : memref<!tpu.dma_semaphore, #tpu.memory_space<semaphore_mem>>)
      %add3A_295 = arith.constant 2 : i32
      %add3A_296 = arith.addi %add3A_195, %add3A_295 : i32
      %lt3A_297 = arith.constant 32 : i32
      %lt3A_298 = arith.cmpi slt, %add3A_296, %lt3A_297 : i32
      %convert_element_type3A_299 = arith.extui %lt3A_298 : i1 to i32
      %cond3A_300 = arith.constant 0 : i32
      %cond3A_301 = arith.cmpi ne, %convert_element_type3A_299, %cond3A_300 : i32
      scf.if %cond3A_301 {
        %add3A_302 = arith.constant 2 : i32
        %add3A_303 = arith.addi %add3A_195, %add3A_302 : i32
        %jit3A_304 = arith.constant 16 : i32
        %div3A_305 = arith.divsi %add3A_303, %jit3A_304 : i32
        %sign3A_306 = arith.constant 0 : i32
        %sign3A_307 = arith.cmpi sgt, %add3A_303, %sign3A_306 : i32
        %sign3A_308 = arith.extui %sign3A_307 : i1 to i32
        %sign3A_309 = arith.constant 0 : i32
        %sign3A_310 = arith.cmpi slt, %add3A_303, %sign3A_309 : i32
        %sign3A_311 = arith.extui %sign3A_310 : i1 to i32
        %sign3A_312 = arith.subi %sign3A_308, %sign3A_311 : i32
        %sign3A_313 = arith.constant 0 : i32
        %sign3A_314 = arith.cmpi sgt, %jit3A_304, %sign3A_313 : i32
        %sign3A_315 = arith.extui %sign3A_314 : i1 to i32
        %sign3A_316 = arith.constant 0 : i32
        %sign3A_317 = arith.cmpi slt, %jit3A_304, %sign3A_316 : i32
        %sign3A_318 = arith.extui %sign3A_317 : i1 to i32
        %sign3A_319 = arith.subi %sign3A_315, %sign3A_318 : i32
        %ne3A_320 = arith.cmpi ne, %sign3A_312, %sign3A_319 : i32
        %rem3A_321 = arith.remsi %add3A_303, %jit3A_304 : i32
        %ne3A_322 = arith.constant 0 : i32
        %ne3A_323 = arith.cmpi ne, %rem3A_321, %ne3A_322 : i32
        %and3A_324 = arith.andi %ne3A_320, %ne3A_323 : i1
        %sub3A_325 = arith.constant 1 : i32
        %sub3A_326 = arith.subi %div3A_305, %sub3A_325 : i32
        %select_n3A_327 = arith.select %and3A_324, %sub3A_326, %div3A_305 : i32
        %add3A_328 = arith.addi %mul3A_2, %select_n3A_327 : i32
        %mul3A_329 = arith.constant 16 : i32
        %mul3A_330 = arith.muli %select_n3A_327, %mul3A_329 : i32
        %sub3A_331 = arith.subi %add3A_303, %mul3A_330 : i32
        %mul3A_332 = arith.constant 128 : i32
        %mul3A_333 = arith.muli %sub3A_331, %mul3A_332 : i32
        %dma_start3A_334 = arith.constant 0 : i32
        %dma_start3A_335 = tpu.memref_slice %arg2[%add3A_328, %mul3A_333, %dma_start3A_334] : memref<64x2048x128xf32, #tpu.memory_space<hbm>> -> memref<1x128x128xf32, #tpu.memory_space<hbm>>
        %dma_start3A_336 = tpu.memref_squeeze %dma_start3A_335 : memref<1x128x128xf32, #tpu.memory_space<hbm>> -> memref<128x128xf32, #tpu.memory_space<hbm>>
        %dma_start3A_337 = arith.constant 0 : i32
        %dma_start3A_338 = tpu.memref_slice %arg2[%add3A_328, %mul3A_333, %dma_start3A_337] : memref<64x2048x128xf32, #tpu.memory_space<hbm>> -> memref<1x128x128xf32, #tpu.memory_space<hbm>>
        %dma_start3A_339 = tpu.memref_squeeze %dma_start3A_338 : memref<1x128x128xf32, #tpu.memory_space<hbm>> -> memref<128x128xf32, #tpu.memory_space<hbm>>
        tpu.enqueue_dma source(%dma_start3A_339 : memref<128x128xf32, #tpu.memory_space<hbm>>) target(%arg7 : memref<128x128xf32, #tpu.memory_space<vmem>>) target_semaphore(%arg13 : memref<!tpu.dma_semaphore, #tpu.memory_space<semaphore_mem>>)
      } else {
      }
    }
    %scan3A_77 = arith.constant 16 : i32
    %add3A_78 = arith.constant 1 : i32
    %add3A_79 = arith.addi %mul3A_2, %add3A_78 : i32
    %dma_wait3A = arith.constant 1792 : i32
    %dma_wait3A_80 = arith.constant 0 : i32
    %dma_wait3A_81 = tpu.memref_slice %arg5[%add3A_79, %dma_wait3A, %dma_wait3A_80] : memref<64x2048x128xf32, #tpu.memory_space<hbm>> -> memref<1x128x128xf32, #tpu.memory_space<hbm>>
    %dma_wait3A_82 = tpu.memref_squeeze %dma_wait3A_81 : memref<1x128x128xf32, #tpu.memory_space<hbm>> -> memref<128x128xf32, #tpu.memory_space<hbm>>
    %dma_wait3A_83 = arith.constant 1792 : i32
    %dma_wait3A_84 = arith.constant 0 : i32
    %dma_wait3A_85 = tpu.memref_slice %arg5[%add3A_79, %dma_wait3A_83, %dma_wait3A_84] : memref<64x2048x128xf32, #tpu.memory_space<hbm>> -> memref<1x128x128xf32, #tpu.memory_space<hbm>>
    %dma_wait3A_86 = tpu.memref_squeeze %dma_wait3A_85 : memref<1x128x128xf32, #tpu.memory_space<hbm>> -> memref<128x128xf32, #tpu.memory_space<hbm>>
    tpu.wait_dma2 semaphore(%arg14 : memref<!tpu.dma_semaphore, #tpu.memory_space<semaphore_mem>>) src(%arg8 : memref<128x128xf32, #tpu.memory_space<vmem>>) dst(%dma_wait3A_86 : memref<128x128xf32, #tpu.memory_space<hbm>>)
    %add3A_87 = arith.constant 1 : i32
    %add3A_88 = arith.addi %mul3A_2, %add3A_87 : i32
    %dma_wait3A_89 = arith.constant 1920 : i32
    %dma_wait3A_90 = arith.constant 0 : i32
    %dma_wait3A_91 = tpu.memref_slice %arg5[%add3A_88, %dma_wait3A_89, %dma_wait3A_90] : memref<64x2048x128xf32, #tpu.memory_space<hbm>> -> memref<1x128x128xf32, #tpu.memory_space<hbm>>
    %dma_wait3A_92 = tpu.memref_squeeze %dma_wait3A_91 : memref<1x128x128xf32, #tpu.memory_space<hbm>> -> memref<128x128xf32, #tpu.memory_space<hbm>>
    %dma_wait3A_93 = arith.constant 1920 : i32
    %dma_wait3A_94 = arith.constant 0 : i32
    %dma_wait3A_95 = tpu.memref_slice %arg5[%add3A_88, %dma_wait3A_93, %dma_wait3A_94] : memref<64x2048x128xf32, #tpu.memory_space<hbm>> -> memref<1x128x128xf32, #tpu.memory_space<hbm>>
    %dma_wait3A_96 = tpu.memref_squeeze %dma_wait3A_95 : memref<1x128x128xf32, #tpu.memory_space<hbm>> -> memref<128x128xf32, #tpu.memory_space<hbm>>
    tpu.wait_dma2 semaphore(%arg15 : memref<!tpu.dma_semaphore, #tpu.memory_space<semaphore_mem>>) src(%arg9 : memref<128x128xf32, #tpu.memory_space<vmem>>) dst(%dma_wait3A_96 : memref<128x128xf32, #tpu.memory_space<hbm>>)
    return
  }
}

</mosaic_0001>

<sc_bundles>
// kernel: kernel.3.cloned.1.call-start
scs
__scs_entry_jumppad:
0x0: {  	(pc) =	sbr.rel $0x88, $3  }
0x1: {  	(tag) =	ssettag $0x0;
	lr =	simm.s32 $0x1  }
0x2: {  	[smem:$0x3FA0] =	sst lr;
	_ =	strace $0xD0000000  }
0x3: {  	_ = 	snop  }
0x4: {  	_ = 	snop  }
0x5: {  	_ = 	snop  }
0x6: {  	_ = 	snop  }
0x7: {  	_ = 	snop  }
__scs_overlays_trampoline_lowered:
0x8: {  	[smem:$0x3FAF] =	sst s0  }
0x9: {  	[smem:$0x3FB0] =	sst s1  }
0xa: {  	[smem:$0x3FB1] =	sst s2  }
0xb: {  	[smem:$0x3FB2] =	sst s3  }
0xc: {  	[smem:$0x3FB3] =	sst s4  }
0xd: {  	[smem:$0x3FB4] =	sst s5  }
0xe: {  	[smem:$0x3FB5] =	sst s6  }
0xf: {  	[smem:$0x3FB6] =	sst s7  }
0x10: {  	[smem:$0x3FB7] =	sst s8  }
0x11: {  	[smem:$0x3FB8] =	sst s9;
	s0 =	simm.s32 @!p0 $0x0  }
0x12: {  	s1 =	sld [smem:$0x3F9E];
	s0 =	simm.s32 @p0 $0x1  }
0x13: {  	[smem:$0x3FB9] =	sst s0;
	s0 =	simm.s32 @!p1 $0x0  }
0x14: {  	s2 =	sld [smem:$0x3F9D];
	s0 =	simm.s32 @p1 $0x1  }
0x15: {  	[smem:$0x3FBA] =	sst s0;
	s0 =	simm.s32 @!p2 $0x0  }
0x16: {  	s3 =	sld [smem:$0x3FDB];
	s0 =	simm.s32 @p2 $0x1  }
0x17: {  	s4 =	simm.s32 $0x1BF5;
	[smem:$0x3FBC] =	sst s0  }
0x18: {  	s0 =	sld [smem:$0x3F9F];
	_ =	swait.ge [sflag:s4], $0x0  }
0x19: {  	s7 =	sld [smem:$0x3FA0]  }
0x1a: {  	s8 =	sadd.s32 $0xFFFFE003, lr  }
0x1b: {  	s9 =	sadd.s32 $0xFFFFFEF7, lr;
	s5 =	simm.s32 $0xFFFFFFFF;
	p2 =	slt.u32 s8, $0xFFFFF086  }
0x1c: {  	p1 =	slt.u32 s9, $0xF7A;
	s5 =	simm.s32 @!p2 $0x0  }
0x1d: {  	s5 =	simm.s32 @p1 $0x1;
	p0 =	seq.s32 s7, s2  }
0x1e: {  	s7 =	smul.u32 @!p0 $0xF7A, s2;
	p2 =	seq.s32 @!p0 s5, $0x0  }
0x1f: {  	s9 =	smul.u32 $0xF7A, s1;
	s8 =	simm.s32 @!p0 $0x1BF5;
	p2 =	por !p2, p0  }
0x20: {  	[sflag:s8] =	ssyncset.s32 @!p0 $0xFFFFF086;
	s6 =	sadd.s32 @!p0 s3, s7;
	s7 =	simm.s32 @!p0 $0x108  }
0x21: {  	s3 =	sadd.s32 s3, s9;
	s6 =	sadd.s32 @!p0 $0x88, s6;
	s7 =	simm.s32 @p2 $0x1082  }
0x22: {  	[simem:s7], [sflag:s8] =	dma.local @!p0 [hbm:s6], $0xF7A  }
0x23: {  	s9 =	sor.u32 $0xD0000000, s2;
	s6 =	simm.s32 $0x108;
	_ =	swait.ge @!p0 [sflag:s8], $0x0  }
0x24: {  	s3 =	sadd.s32 $0x88, s3;
	s6 =	simm.s32 @!p1 $0x1082;
	[sflag:s4] =	ssyncset.s32 $0xFFFFF086  }
0x25: {  	[simem:s6], [sflag:s4] =	dma.local [hbm:s3], $0xF7A  }
0x26: {  	[smem:$0x3FA0] =	sst s1;
	(tag) =	ssettag s2;
	_ =	strace s9  }
0x27: {  	s1 =	sld [smem:$0x3FB0]  }
0x28: {  	s2 =	sld [smem:$0x3FB1]  }
0x29: {  	s4 =	sld [smem:$0x3FB3]  }
0x2a: {  	p0 =	seq.s32 s5, $0x0;
	s5 =	sld [smem:$0x3FB4]  }
0x2b: {  	s6 =	sld [smem:$0x3FB5]  }
0x2c: {  	s7 =	sld [smem:$0x3FB6]  }
0x2d: {  	s3 =	simm.s32 $0x108;
	s8 =	sld [smem:$0x3FB7]  }
0x2e: {  	s3 =	simm.s32 @!p0 $0x1082;
	s9 =	sld [smem:$0x3FB8]  }
0x2f: {  	lr =	sadd.s32 s0, s3;
	s0 =	sld [smem:$0x3FAF]  }
0x30: {  	s3 =	sld [smem:$0x3FB2]  }
0x31: {  	[smem:$0x3FBB] =	sst s10  }
0x32: {  	s10 =	sld [smem:$0x3FB9];
	_ =	sdelay $0x3  }
0x33: {  	p0 =	seq.s32 s10, $0x1;
	s10 =	sld [smem:$0x3FBB];
	_ =	sdelay $0x3  }
0x34: {  	[smem:$0x3FBB] =	sst s10  }
0x35: {  	s10 =	sld [smem:$0x3FBA];
	_ =	sdelay $0x3  }
0x36: {  	p1 =	seq.s32 s10, $0x1;
	s10 =	sld [smem:$0x3FBB];
	_ =	sdelay $0x3  }
0x37: {  	[smem:$0x3FBB] =	sst s10  }
0x38: {  	s10 =	sld [smem:$0x3FBC]  }
0x39: {  	_ = 	snop;
	(pc) =	sbr.ind lr, $3  }
0x3a: {  	_ = 	snop  }
0x3b: {  	_ = 	snop  }
0x3c: {  	p2 =	seq.s32 s10, $0x1;
	s10 =	sld [smem:$0x3FBB]  }
0x3d: {  	_ =	shalt  }
0x3e: {  	_ =	shalt  }
0x3f: {  	_ =	shalt  }
0x40: {  	_ =	shalt  }
0x41: {  	_ =	shalt  }
0x42: {  	_ =	shalt  }
0x43: {  	_ =	shalt  }
0x44: {  	_ =	shalt  }
0x45: {  	_ =	shalt  }
0x46: {  	_ =	shalt  }
0x47: {  	_ =	shalt  }
0x48: {  	_ =	shalt  }
0x49: {  	_ =	shalt  }
0x4a: {  	_ =	shalt  }
0x4b: {  	_ =	shalt  }
0x4c: {  	_ =	shalt  }
0x4d: {  	_ =	shalt  }
0x4e: {  	_ =	shalt  }
0x4f: {  	_ =	shalt  }
0x50: {  	_ =	shalt  }
0x51: {  	_ =	shalt  }
0x52: {  	_ =	shalt  }
0x53: {  	_ =	shalt  }
0x54: {  	_ =	shalt  }
0x55: {  	_ =	shalt  }
0x56: {  	_ =	shalt  }
0x57: {  	_ =	shalt  }
0x58: {  	_ =	shalt  }
0x59: {  	_ =	shalt  }
0x5a: {  	_ =	shalt  }
0x5b: {  	_ =	shalt  }
0x5c: {  	_ =	shalt  }
0x5d: {  	_ =	shalt  }
0x5e: {  	_ =	shalt  }
0x5f: {  	_ =	shalt  }
0x60: {  	_ =	shalt  }
0x61: {  	_ =	shalt  }
0x62: {  	_ =	shalt  }
0x63: {  	_ =	shalt  }
0x64: {  	_ =	shalt  }
0x65: {  	_ =	shalt  }
0x66: {  	_ =	shalt  }
0x67: {  	_ =	shalt  }
0x68: {  	_ =	shalt  }
0x69: {  	_ =	shalt  }
0x6a: {  	_ =	shalt  }
0x6b: {  	_ =	shalt  }
0x6c: {  	_ =	shalt  }
0x6d: {  	_ =	shalt  }
0x6e: {  	_ =	shalt  }
0x6f: {  	_ =	shalt  }
0x70: {  	_ =	shalt  }
0x71: {  	_ =	shalt  }
0x72: {  	_ =	shalt  }
0x73: {  	_ =	shalt  }
0x74: {  	_ =	shalt  }
0x75: {  	_ =	shalt  }
0x76: {  	_ =	shalt  }
0x77: {  	_ =	shalt  }
0x78: {  	_ =	shalt  }
0x79: {  	_ =	shalt  }
0x7a: {  	_ =	shalt  }
0x7b: {  	_ =	shalt  }
0x7c: {  	_ =	shalt  }
0x7d: {  	_ =	shalt  }
0x7e: {  	_ =	shalt  }
0x7f: {  	_ =	shalt  }
0x80: {  	_ =	shalt  }
0x81: {  	_ =	shalt  }
0x82: {  	_ =	shalt  }
0x83: {  	_ =	shalt  }
0x84: {  	_ =	shalt  }
0x85: {  	_ =	shalt  }
0x86: {  	_ =	shalt  }
0x87: {  	_ =	shalt  }
.Lfunc_end0:
.L_simem_size_0:
called_computation_lowered:
.L_overlay_start_0:
0x88: {  	s2 =	sld [smem:$0x3FD9]  }
0x89: {  	s3 =	sld [smem:$0x3FFE];
	_ =	sdelay $0x1  }
0x8a: {  	s1 =	srdreg.scid  }
0x8b: {  	s0 =	sand.u32 $0x1, s1  }
0x8c: {  	s17 =	sshll.u32 s0, $0xA;
	s2 =	sadd.s32 s3, s2  }
0x8d: {  	s2 =	sadd.s32 s2, s17  }
0x8e: {  	[smem:$0x3FC7] =	sst s2  }
0x8f: {  	_ = 	snop  }
0x90: {  	s2 =	sld [smem:$0x3FC9]  }
0x91: {  	s18 =	sld [smem:$0x3FD0];
	(tm) =	ssettm $0x1  }
0x92: {  	s4 =	sld [smem:$0x3FFB];
	_ =	sdelay $0x3  }
0x93: {  	_ =	strace s4  }
0x94: {  	s4 =	sld [smem:$0x3FFC];
	_ =	sdelay $0x3  }
0x95: {  	_ =	strace s4  }
0x96: {  	s4 =	sld [smem:$0x3FFD];
	_ =	sdelay $0x3  }
0x97: {  	_ =	strace s4  }
0x98: {  	_ =	strace $0x8FFFFFFF  }
0x99: {  	s19 =	sld [smem:$0x3FDB];
	_ =	sdelay $0x1  }
0x9a: {  	s5 =	simm.s32 $_scs_section_size  }
0x9b: {  	s6 =	simm.s32 $_size__tile_overlayer_lowered;
	s7 =	simm.s32 $_tile_overlayer_lowered  }
0x9c: {  	s22 =	simm.s32 $0x1BFF;
	s21 =	sshll.u32 s7, $0x1;
	s4 =	sadd.s32 s5, s19  }
0x9d: {  	s8 =	simm.s32 $0x0;
	s20 =	sshll.u32 s6, $0x1;
	s6 =	sadd.s32 s21, s4  }
0x9e: {  	[timem:s8], [sflag:s22] =	dma.local [hbm:s6], s20  }
0x9f: {  	_ =	swait.ge [sflag:s22], s20  }
0xa0: {  	s5 =	ssub.s32 $0x0, s20;
	[sflag:s22] =	ssyncset.done $0x0  }
0xa1: {  	[sflag:s22] =	ssyncadd.s32 s5;
	_ =	sdelay $0x1  }
0xa2: {  	s23 =	simm.s32 $0x1B8B  }
0xa3: {  	_ =	swait.ge [sflag:s23], $0x1  }
0xa4: {  	[sflag:s23] =	ssyncset.done $0x0  }
0xa5: {  	s25 =	simm.s32 $0x1B8E;
	s24 =	sld [smem:$0x3FFE];
	[sflag:s23] =	ssyncadd.s32 $0xFFFFFFFF  }
0xa6: {  	s26 =	simm.s32 $execute0_lowered;
	[smem:$0x3FD2] =	sst s25  }
0xa7: {  	s6 =	sshll.u32 s26, $0x1;
	_ =	strace $0x80000046;
	[dreg:$0x1] =	wrdreg $0xFFFFFFFF  }
0xa8: {  	s28 =	simm.s32 $_size_execute0_lowered;
	s4 =	sadd.s32 s4, s6;
	[dreg:$0x0] =	wrdreg $0x0  }
0xa9: {  	s6 =	sshll.u32 s28, $0x1;
	[dreg:$0x2] =	wrdreg s4  }
0xaa: {  	[dreg:$0x3] =	wrdreg s6  }
0xab: {  	[dreg:$0x4] =	wrdreg $0xC0  }
0xac: {  	_ =	task [dreg:s8], $0x5FFFF  }
0xad: {  	[dreg:$0x1] =	wrdreg $0xFFFFFFFF  }
0xae: {  	[dreg:$0x0] =	wrdreg $0x60  }
0xaf: {  	[dreg:$0x2] =	wrdreg s2  }
0xb0: {  	[dreg:$0x3] =	wrdreg s24  }
0xb1: {  	[dreg:$0x4] =	wrdreg s18  }
0xb2: {  	[dreg:$0x5] =	wrdreg $0x9  }
0xb3: {  	_ =	task.clear_ibuf [dreg:s8], $0x6FFFF;
	_ =	strace $0x90000046  }
0xb4: {  	s29 =	simm.s32 $0x9;
	_ =	strace $0x80000048  }
0xb5: {  	_ =	swait.ge [sflag:s29], $0x1  }
0xb6: {  	[sflag:s29] =	ssyncadd.s32 $0xFFFFFFFF  }
0xb7: {  	_ =	strace $0x90000048  }
0xb8: {  	_ =	sfence  }
0xb9: {  	s30 =	sld [smem:$0x0];
	_ =	sdelay $0x2  }
0xba: {  	s31 =	sshll.u32 s1, $0xD;
	s1 =	sshrl.u32 s1, $0x2  }
0xbb: {  	s3 =	sand.u32 $0x4000, s31;
	s1 =	sadd.s32 s1, s30  }
0xbc: {  	s0 =	sor.u32 s3, s0;
	s1 =	sshll.u32 s1, $0x11  }
0xbd: {  	s0 =	sor.u32 s1, s0  }
0xbe: {  	s0 =	sadd.s32 $0x8F2B, s0  }
0xbf: {  	[sflag:s0] =	ssyncadd.remote.s32 $0x1  }
0xc0: {  	_ =	sfence.sel $0xFFFF  }
0xc1: {  	[dreg:$0x0] =	wrdreg $0xFFFFFFFF;
	(pc) =	sbr.abs _section_cstart, $3  }
0xc2: {  	[dreg:$0x1] =	wrdreg $0xFFFFFFFF  }
0xc3: {  	_ =	task.clear_ibuf [dreg:s8], $0x2FFFF;
	_ =	strace $0x9FFFFFFF  }
0xc4: {  	(tm) =	ssettm $0x7FFFFFFF  }
0xc5: {  	_ =	shalt  }
tec
execute0_lowered:
.L_overlay_start_1:
0x0: {  	(tag) =	ssettag $0x1  }
0x1: {  	s1 =	rddreg [dreg:$0x0]  }
0x2: {  	s2 =	rddreg [dreg:$0x1]  }
0x3: {  	s4 =	rddreg [dreg:$0x2]  }
0x4: {  	s0 =	rddreg [dreg:$0x3];
	s5 =	simm.s32 $0x0  }
0x5: {  	s6 =	srdreg.scid;
	s3 =	stileid.u32;
	s12 =	simm.s32 $0x5  }
0x6: {  	s13 =	simm.s32 $0x10000;
	s14 =	simm.s32 $0x4000;
	s15 =	simm.s32 $0x1  }
0x7: {  	s16 =	simm.s32 $0x8000;
	s17 =	simm.s32 $0x2;
	s18 =	simm.s32 $0x4  }
0x8: {  	s19 =	simm.s32 $0xC000;
	s20 =	simm.s32 $0x3;
	s21 =	simm.s32 $0x0  }
0x9: {  	[smem:$0x7FF] =	sst s5;
	s6 =	sand.u32 $0x1, s6;
	s7 =	sshll.u32 s3, $0x1  }
.Ltmp0:
0xa: {  	s7 =	sor.u32 s6, s7;
	s6 =	ssub.s32 $0x2, s6;
	(pc) =	sbr.rel .LBB2_1-.Ltmp0, $4  }
0xb: {  	_ =	strace $0x80000047;
	s8 =	sshll.u32 s7, $0x5;
	s9 =	sshrl.u32 s6, $0x1  }
0xc: {  	s10 =	sshll.u32 s7, $0x10;
	s7 =	sshll.u32 s7, $0x1;
	s8 =	sadd.s32 s8, s2  }
0xd: {  	s11 =	ssub.s32 s6, s9;
	s6 =	sadd.s32 s1, s10;
	s8 =	sadd.s32 $0x200, s8  }
0xe: {  	s9 =	sadd.s32 $0x800, s6;
	s10 =	smax.u32 s11, $0x1;
	s11 =	simm.s32 $0x10100  }
.LBB2_12:
0xf: {  	s21 =	sadd.s32 $0x1, s21  }
0x10: {  	_ =	swait.ge [sflag:s20], $0x4000;
	p0 =	sne.s32 s21, s10  }
.Ltmp1:
0x11: {  	[sflag:s20] =	ssyncset.done $0x0;
	(pc) =	sbr.rel @!p0 .LBB2_13-.Ltmp1, $4  }
0x12: {  	[sflag:s20] =	ssyncadd.s32 $0xFFFFC000  }
0x13: {  	_ =	swait.ge [sflag:s18], $0x4000  }
0x14: {  	[sflag:s18] =	ssyncset.done $0x0  }
0x15: {  	[sflag:s18] =	ssyncadd.s32 $0xFFFFC000  }
.LBB2_1:
0x16: {  	[tilespmem:s11], [sflag:$0x5] =	stream.linear.gather [hbm4b:s2+s5], $0x80, $0x38;
	[tilespmem:$0x10180] =	vst v63  }
0x17: {  	_ =	swait.ge [sflag:s12], $0x80  }
0x18: {  	[sflag:s12] =	ssyncset.done $0x0  }
0x19: {  	[sflag:s12] =	ssyncadd.s32 $0xFFFFFF80  }
0x1a: {  	[tilespmem:s13], [sflag:$0x5] =	stream.linear.gather [hbm4b:s8+s5], $0x100, $0x38;
	[tilespmem:$0x10180] =	vst v63  }
0x1b: {  	_ =	swait.ge [sflag:s12], $0x100  }
0x1c: {  	[sflag:s12] =	ssyncset.done $0x0  }
0x1d: {  	[sflag:s12] =	ssyncadd.s32 $0xFFFFFF00  }
0x1e: {  	v0 =	vld [tilespmem:$0x10100]  }
0x1f: {  	v8 =	vld [tilespmem:$0x10000]  }
0x20: {  	v1 =	vld [tilespmem:$0x10110]  }
0x21: {  	v2 =	vld [tilespmem:$0x10120]  }
0x22: {  	v3 =	vld [tilespmem:$0x10130]  }
0x23: {  	v4 =	vld [tilespmem:$0x10140]  }
0x24: {  	[tilespmem:$0x1FFB0] =	vst v8;
	v8 =	vld [tilespmem:$0x10010]  }
0x25: {  	v5 =	vld [tilespmem:$0x10150]  }
0x26: {  	v6 =	vld [tilespmem:$0x10160]  }
0x27: {  	v7 =	vld [tilespmem:$0x10170]  }
0x28: {  	v13 =	vld [tilespmem:$0x10050]  }
0x29: {  	[tilespmem:$0x1FFC0] =	vst v8;
	v8 =	vld [tilespmem:$0x10020]  }
0x2a: {  	v14 =	vld [tilespmem:$0x10060]  }
0x2b: {  	v15 =	vld [tilespmem:$0x10070]  }
0x2c: {  	v16 =	vld [tilespmem:$0x10080]  }
0x2d: {  	v17 =	vld [tilespmem:$0x10090]  }
0x2e: {  	[tilespmem:$0x1FFD0] =	vst v8;
	v8 =	vld [tilespmem:$0x10030]  }
0x2f: {  	v18 =	vld [tilespmem:$0x100A0]  }
0x30: {  	v19 =	vld [tilespmem:$0x100B0]  }
0x31: {  	v20 =	vld [tilespmem:$0x100C0]  }
0x32: {  	v21 =	vld [tilespmem:$0x100D0]  }
0x33: {  	[tilespmem:$0x1FFE0] =	vst v8;
	v8 =	vld [tilespmem:$0x10040]  }
0x34: {  	v22 =	vld [tilespmem:$0x100E0]  }
0x35: {  	v23 =	vld [tilespmem:$0x100F0];
	[tilespmem:s5], [sflag:$0x1] =	stream.linear.gather [hbm4b:s6+s5], $0x4000, $0x38  }
0x36: {  	_ = 	snop  }
0x37: {  	[tilespmem:s14], [sflag:$0x2] =	stream.linear.gather [hbm4b:s9+s5], $0x4000, $0x38;
	[tilespmem:$0x10180] =	vst v63  }
0x38: {  	s22 =	simm.s32 $0x0;
	[tilespmem:$0x1FFF0] =	vst v8  }
.LBB2_2:
0x39: {  	v30 =	vimm.s32 $0x0  }
0x3a: {  	v38 =	vshll.u32 v30, $0x7  }
0x3b: {  	_ =	swait.ge [sflag:s15], $0x4000;
	v34 =	vor.u32 $0x200, v38  }
0x3c: {  	p0 =	seq.s32 s22, $0x0;
	[sflag:s15] =	ssyncset.done $0x0;
	v24 =	vadd.s32 v0, v34  }
0x3d: {  	s23 =	simm.s32 @!p0 $0x3;
	[sflag:s15] =	ssyncadd.s32 $0xFFFFC000  }
0x3e: {  	_ =	swait.ge @!p0 [sflag:s23], $0x4000  }
0x3f: {  	[sflag:s23] =	ssyncset.done @!p0 $0x0  }
0x40: {  	v8 =	vld [tilespmem:$0x1FFB0];
	[sflag:s23] =	ssyncadd.s32 @!p0 $0xFFFFC000  }
0x41: {  	v24 =	vld.idx.msk [tilespmem:v24+s5+$0x0], $0xffff  }
0x42: {  	v44 =	vor.u32 $0x180, v38  }
0x43: {  	s26 =	sshrl.u32 s22, $0x3;
	v27 =	vadd.s32 v0, v44  }
0x44: {  	p1 =	seq.s32 s26, $0x0  }
0x45: {  	v25 =	vadd.s32 v1, v34;
	v26 =	vpsel p1, v8, v16  }
0x46: {  	v24 =	vmul.f32 v24, v26  }
0x47: {  	s24 =	simm.s32 $0x8200;
	v28 =	vadd.s32 v0, v38  }
0x48: {  	v29 =	vld.idx.msk [tilespmem:v27+s5+$0x0], $0xffff;
	[tilespmem:s24+$0x0] =	vst v24  }
0x49: {  	v8 =	vld [tilespmem:$0x1FFC0]  }
0x4a: {  	v24 =	vld.idx.msk [tilespmem:v25+s5+$0x0], $0xffff  }
0x4b: {  	v40 =	vor.u32 $0x380, v38;
	v33 =	vadd.s32 v1, v44  }
0x4c: {  	v28 =	vld.idx.msk [tilespmem:v28+s5+$0x0], $0xffff;
	v25 =	vadd.s32 v0, v40  }
0x4d: {  	v39 =	vor.u32 $0x300, v38;
	v31 =	vadd.s32 v2, v34;
	v29 =	vmul.f32 v29, v26  }
0x4e: {  	v32 =	vadd.s32 v0, v39;
	v27 =	vpsel p1, v8, v17  }
0x4f: {  	[tilespmem:s24+$0xFFFFFF80] =	vst v29;
	v24 =	vmul.f32 v24, v27  }
0x50: {  	v33 =	vld.idx.msk [tilespmem:v33+s5+$0x0], $0xffff  }
0x51: {  	v28 =	vmul.f32 v28, v26;
	v25 =	vld.idx.msk [tilespmem:v25+s5+$0x0], $0xffff;
	[tilespmem:s24+$0x10] =	vst v24  }
0x52: {  	v45 =	vor.u32 $0x80, v38;
	v24 =	vld.idx.msk [tilespmem:v31+s5+$0x0], $0xffff  }
0x53: {  	v36 =	vadd.s32 v0, v45;
	[tilespmem:s24+$0xFFFFFE00] =	vst v28;
	v31 =	vld.idx.msk [tilespmem:v32+s5+$0x0], $0xffff  }
0x54: {  	v35 =	vadd.s32 v1, v38;
	v41 =	vor.u32 $0x280, v38;
	v8 =	vld [tilespmem:$0x1FFD0]  }
0x55: {  	v61 =	vadd.s32 v0, v41  }
0x56: {  	v58 =	vadd.s32 v1, v40  }
0x57: {  	v37 =	vadd.s32 v1, v39;
	v33 =	vmul.f32 v33, v27  }
0x58: {  	v36 =	vld.idx.msk [tilespmem:v36+s5+$0x0], $0xffff;
	v28 =	vadd.s32 v3, v34;
	v25 =	vmul.f32 v25, v26  }
0x59: {  	v35 =	vld.idx.msk [tilespmem:v35+s5+$0x0], $0xffff;
	[tilespmem:s24+$0xFFFFFF90] =	vst v33;
	v29 =	vpsel p1, v8, v18;
	v31 =	vmul.f32 v31, v26  }
0x5a: {  	v33 =	vld.idx.msk [tilespmem:v61+s5+$0x0], $0xffff;
	[tilespmem:s24+$0x180] =	vst v25;
	v25 =	vadd.s32 v2, v44;
	v24 =	vmul.f32 v24, v29  }
0x5b: {  	v46 =	vadd.s32 v1, v45;
	v32 =	vld.idx.msk [tilespmem:v58+s5+$0x0], $0xffff;
	[tilespmem:s24+$0x100] =	vst v31  }
0x5c: {  	v43 =	vadd.s32 v2, v38;
	v42 =	vor.u32 $0x100, v38;
	[tilespmem:s24+$0x20] =	vst v24;
	v37 =	vld.idx.msk [tilespmem:v37+s5+$0x0], $0xffff  }
0x5d: {  	v59 =	vmul.f32 v36, v26;
	v24 =	vadd.s32 v0, v42;
	v47 =	vld.idx.msk [tilespmem:v28+s5+$0x0], $0xffff  }
0x5e: {  	v28 =	vmul.f32 v35, v27;
	v8 =	vld [tilespmem:$0x1FFE0]  }
0x5f: {  	v48 =	vld.idx.msk [tilespmem:v25+s5+$0x0], $0xffff;
	[tilespmem:s24+$0xFFFFFE80] =	vst v59  }
0x60: {  	v60 =	vadd.s32 v2, v40;
	v46 =	vld.idx.msk [tilespmem:v46+s5+$0x0], $0xffff;
	[tilespmem:s24+$0xFFFFFE10] =	vst v28  }
0x61: {  	v49 =	vadd.s32 v2, v39;
	v32 =	vmul.f32 v32, v27;
	v43 =	vld.idx.msk [tilespmem:v43+s5+$0x0], $0xffff  }
0x62: {  	v62 =	vadd.s32 v4, v34;
	v33 =	vmul.f32 v33, v26;
	v50 =	vld.idx.msk [tilespmem:v24+s5+$0x0], $0xffff  }
0x63: {  	v63 =	vadd.s32 v3, v44;
	v37 =	vmul.f32 v37, v27;
	v31 =	vpsel p1, v8, v19;
	v8 =	vld [tilespmem:$0x1FFF0];
	[tilespmem:s24+$0x190] =	vst v32  }
0x64: {  	v52 =	vadd.s32 v2, v45;
	[tilespmem:s24+$0x80] =	vst v33;
	v47 =	vmul.f32 v47, v31  }
0x65: {  	v51 =	vadd.s32 v3, v38;
	v48 =	vmul.f32 v48, v29;
	v36 =	vld.idx.msk [tilespmem:v60+s5+$0x0], $0xffff;
	[tilespmem:s24+$0x110] =	vst v37  }
0x66: {  	v9 =	vadd.s32 v1, v42;
	v46 =	vmul.f32 v46, v27;
	v11 =	vld.idx.msk [tilespmem:v49+s5+$0x0], $0xffff;
	[tilespmem:s24+$0x30] =	vst v47  }
0x67: {  	v54 =	vadd.s32 v1, v41;
	[tilespmem:s24+$0xFFFFFFA0] =	vst v48;
	v43 =	vmul.f32 v43, v29;
	v35 =	vld.idx.msk [tilespmem:v62+s5+$0x0], $0xffff  }
0x68: {  	v10 =	vadd.s32 v3, v40;
	v32 =	vld.idx.msk [tilespmem:v63+s5+$0x0], $0xffff;
	[tilespmem:s24+$0xFFFFFE90] =	vst v46;
	v50 =	vmul.f32 v50, v26  }
0x69: {  	v55 =	vadd.s32 v5, v34;
	v58 =	vadd.s32 v3, v39;
	v57 =	vld.idx.msk [tilespmem:v52+s5+$0x0], $0xffff;
	[tilespmem:s24+$0xFFFFFE20] =	vst v43  }
0x6a: {  	v25 =	vpsel p1, v13, v21;
	v36 =	vmul.f32 v36, v29;
	v56 =	vld.idx.msk [tilespmem:v51+s5+$0x0], $0xffff;
	[tilespmem:s24+$0xFFFFFF00] =	vst v50  }
0x6b: {  	v60 =	vadd.s32 v4, v44;
	v28 =	vpsel p1, v8, v20;
	v59 =	vld.idx.msk [tilespmem:v9+s5+$0x0], $0xffff;
	v62 =	vmul.f32 v11, v29  }
0x6c: {  	v49 =	vld.idx.msk [tilespmem:v54+s5+$0x0], $0xffff;
	v9 =	vadd.s32 v3, v45;
	[tilespmem:s24+$0x1A0] =	vst v36;
	v35 =	vmul.f32 v35, v28  }
0x6d: {  	v63 =	vadd.s32 v4, v38;
	v32 =	vmul.f32 v32, v31;
	v61 =	vld.idx.msk [tilespmem:v10+s5+$0x0], $0xffff;
	[tilespmem:s24+$0x120] =	vst v62  }
0x6e: {  	v10 =	vadd.s32 v2, v42;
	v51 =	vmul.f32 v57, v29;
	v50 =	vld.idx.msk [tilespmem:v58+s5+$0x0], $0xffff;
	[tilespmem:s24+$0x40] =	vst v35  }
0x6f: {  	[tilespmem:s24+$0xFFFFFFB0] =	vst v32;
	v46 =	vmul.f32 v56, v31;
	v56 =	vadd.s32 v2, v41;
	v43 =	vld.idx.msk [tilespmem:v55+s5+$0x0], $0xffff  }
0x70: {  	v11 =	vadd.s32 v4, v40;
	v37 =	vld.idx.msk [tilespmem:v60+s5+$0x0], $0xffff;
	[tilespmem:s24+$0xFFFFFEA0] =	vst v51;
	v36 =	vmul.f32 v59, v27  }
0x71: {  	v49 =	vmul.f32 v49, v27;
	v58 =	vadd.s32 v4, v39;
	v35 =	vld.idx.msk [tilespmem:v9+s5+$0x0], $0xffff;
	[tilespmem:s24+$0xFFFFFE30] =	vst v46  }
0x72: {  	v57 =	vadd.s32 v6, v34;
	v33 =	vmul.f32 v61, v31;
	v48 =	vld.idx.msk [tilespmem:v63+s5+$0x0], $0xffff;
	[tilespmem:s24+$0xFFFFFF10] =	vst v36  }
0x73: {  	[tilespmem:s24+$0x90] =	vst v49;
	v60 =	vadd.s32 v5, v44;
	v47 =	vld.idx.msk [tilespmem:v10+s5+$0x0], $0xffff;
	v50 =	vmul.f32 v50, v31  }
0x74: {  	v53 =	vadd.s32 v4, v45;
	[tilespmem:s24+$0x1B0] =	vst v33;
	v54 =	vld.idx.msk [tilespmem:v56+s5+$0x0], $0xffff;
	v59 =	vmul.f32 v43, v25  }
0x75: {  	v61 =	vadd.s32 v5, v38;
	v49 =	vld.idx.msk [tilespmem:v11+s5+$0x0], $0xffff;
	v43 =	vadd.s32 $0x8, v30;
	v30 =	vmul.f32 v37, v28;
	[tilespmem:s24+$0x130] =	vst v50  }
0x76: {  	v55 =	vadd.s32 v3, v42;
	v35 =	vmul.f32 v35, v31;
	v33 =	vshll.u32 v43, $0x7;
	v36 =	vld.idx.msk [tilespmem:v58+s5+$0x0], $0xffff;
	[tilespmem:s24+$0x50] =	vst v59  }
0x77: {  	v56 =	vadd.s32 v3, v41;
	v32 =	vor.u32 $0x80, v33;
	v48 =	vmul.f32 v48, v28;
	[tilespmem:s24+$0xFFFFFFC0] =	vst v30;
	v62 =	vld.idx.msk [tilespmem:v57+s5+$0x0], $0xffff  }
0x78: {  	v46 =	vor.u32 $0x200, v33;
	[tilespmem:s24+$0xFFFFFEB0] =	vst v35;
	v63 =	vadd.s32 v0, v32;
	v47 =	vmul.f32 v47, v29;
	v9 =	vld.idx.msk [tilespmem:v60+s5+$0x0], $0xffff  }
0x79: {  	v11 =	vadd.s32 v0, v46;
	v53 =	vld.idx.msk [tilespmem:v53+s5+$0x0], $0xffff;
	[tilespmem:s24+$0xFFFFFE40] =	vst v48;
	v59 =	vmul.f32 v54, v29  }
0x7a: {  	v57 =	vadd.s32 v5, v39;
	v10 =	vld.idx.msk [tilespmem:v61+s5+$0x0], $0xffff;
	[tilespmem:s24+$0xFFFFFF20] =	vst v47  }
0x7b: {  	v24 =	vpsel p1, v14, v22;
	v35 =	vor.u32 $0x300, v33;
	v60 =	vadd.s32 v7, v34;
	v61 =	vld.idx.msk [tilespmem:v55+s5+$0x0], $0xffff;
	[tilespmem:s24+$0xA0] =	vst v59  }
0x7c: {  	v34 =	vor.u32 $0x280, v33;
	v58 =	vmul.f32 v36, v28;
	v59 =	vadd.s32 v6, v44;
	v56 =	vld.idx.msk [tilespmem:v56+s5+$0x0], $0xffff  }
0x7d: {  	v49 =	vmul.f32 v49, v28;
	v37 =	vmul.f32 v62, v24;
	v62 =	vadd.s32 v0, v34;
	v50 =	vld.idx.msk [tilespmem:v63+s5+$0x0], $0xffff  }
0x7e: {  	v63 =	vmul.f32 v9, v25;
	v9 =	vadd.s32 v0, v35;
	v52 =	vld.idx.msk [tilespmem:v11+s5+$0x0], $0xffff;
	[tilespmem:s24+$0x140] =	vst v58  }
0x7f: {  	v36 =	vor.u32 $0x380, v33;
	v53 =	vmul.f32 v53, v28;
	v11 =	vadd.s32 v5, v45;
	v57 =	vld.idx.msk [tilespmem:v57+s5+$0x0], $0xffff;
	[tilespmem:s24+$0x60] =	vst v37  }
0x80: {  	v51 =	vmul.f32 v10, v25;
	v10 =	vadd.s32 v0, v36;
	[tilespmem:s24+$0xFFFFFFD0] =	vst v63;
	v47 =	vld.idx.msk [tilespmem:v60+s5+$0x0], $0xffff  }
0x81: {  	v30 =	vpsel p1, v15, v23;
	[tilespmem:s24+$0x1C0] =	vst v49;
	v37 =	vor.u32 $0x180, v33;
	v63 =	vadd.s32 v4, v41;
	v59 =	vld.idx.msk [tilespmem:v59+s5+$0x0], $0xffff  }
0x82: {  	[tilespmem:s24+$0xFFFFFEC0] =	vst v53;
	v54 =	vmul.f32 v61, v31;
	v60 =	vadd.s32 v0, v37;
	v55 =	vld.idx.msk [tilespmem:v62+s5+$0x0], $0xffff  }
0x83: {  	v61 =	vadd.s32 v1, v46;
	[tilespmem:s24+$0xFFFFFE50] =	vst v51;
	v56 =	vmul.f32 v56, v31;
	v48 =	vld.idx.msk [tilespmem:v9+s5+$0x0], $0xffff  }
0x84: {  	v50 =	vmul.f32 v50, v26;
	[tilespmem:s24+$0xFFFFFF30] =	vst v54;
	v62 =	vadd.s32 v6, v39;
	v51 =	vld.idx.msk [tilespmem:v11+s5+$0x0], $0xffff  }
0x85: {  	s25 =	simm.s32 $0x8600;
	v52 =	vmul.f32 v52, v26;
	v11 =	vadd.s32 v0, v33;
	[tilespmem:s24+$0xB0] =	vst v56;
	v58 =	vld.idx.msk [tilespmem:v10+s5+$0x0], $0xffff  }
0x86: {  	v57 =	vmul.f32 v57, v25;
	[tilespmem:s25+$0xFFFFFE80] =	vst v50;
	v10 =	vadd.s32 v4, v42;
	v56 =	vld.idx.msk [tilespmem:v63+s5+$0x0], $0xffff  }
0x87: {  	v9 =	vadd.s32 v1, v34;
	[tilespmem:s25+$0x0] =	vst v52;
	v53 =	vld.idx.msk [tilespmem:v60+s5+$0x0], $0xffff;
	v47 =	vmul.f32 v47, v30  }
0x88: {  	[tilespmem:s24+$0x150] =	vst v57;
	v54 =	vld.idx.msk [tilespmem:v61+s5+$0x0], $0xffff;
	v60 =	vadd.s32 v6, v38;
	v55 =	vmul.f32 v55, v26  }
0x89: {  	v61 =	vadd.s32 v6, v45;
	v50 =	vld.idx.msk [tilespmem:v62+s5+$0x0], $0xffff;
	v48 =	vmul.f32 v48, v26;
	[tilespmem:s24+$0x70] =	vst v47  }
0x8a: {  	v51 =	vmul.f32 v51, v25;
	v49 =	vld.idx.msk [tilespmem:v11+s5+$0x0], $0xffff;
	v11 =	vadd.s32 v5, v40;
	[tilespmem:s25+$0x80] =	vst v55  }
0x8b: {  	v62 =	vadd.s32 v1, v37;
	v58 =	vmul.f32 v58, v26;
	[tilespmem:s25+$0x100] =	vst v48;
	v57 =	vld.idx.msk [tilespmem:v10+s5+$0x0], $0xffff  }
0x8c: {  	v63 =	vadd.s32 v2, v46;
	[tilespmem:s24+$0xFFFFFED0] =	vst v51;
	v52 =	vld.idx.msk [tilespmem:v9+s5+$0x0], $0xffff;
	v53 =	vmul.f32 v53, v26  }
0x8d: {  	v54 =	vmul.f32 v54, v27;
	v55 =	vld.idx.msk [tilespmem:v60+s5+$0x0], $0xffff;
	[tilespmem:s25+$0x180] =	vst v58  }
0x8e: {  	v56 =	vmul.f32 v56, v28;
	v9 =	vadd.s32 v1, v32;
	v47 =	vld.idx.msk [tilespmem:v61+s5+$0x0], $0xffff;
	[tilespmem:s25+$0xFFFFFF80] =	vst v53  }
0x8f: {  	v10 =	vadd.s32 v1, v36;
	v50 =	vmul.f32 v50, v24;
	[tilespmem:s25+$0x10] =	vst v54;
	v54 =	vld.idx.msk [tilespmem:v11+s5+$0x0], $0xffff  }
0x90: {  	v61 =	vadd.s32 v1, v33;
	[tilespmem:s24+$0xC0] =	vst v56;
	v49 =	vmul.f32 v49, v26;
	v48 =	vld.idx.msk [tilespmem:v62+s5+$0x0], $0xffff  }
0x91: {  	v44 =	vadd.s32 v7, v44;
	v62 =	vld.idx.msk [tilespmem:v63+s5+$0x0], $0xffff;
	v63 =	vmul.f32 v59, v24;
	[tilespmem:s24+$0x160] =	vst v50  }
0x92: {  	v38 =	vadd.s32 v7, v38;
	[tilespmem:s25+$0xFFFFFE00] =	vst v49;
	v60 =	vmul.f32 v52, v27  }
0x93: {  	v45 =	vadd.s32 v7, v45;
	v51 =	vld.idx.msk [tilespmem:v9+s5+$0x0], $0xffff;
	v9 =	vmul.f32 v55, v24;
	[tilespmem:s24+$0xFFFFFFE0] =	vst v63  }
0x94: {  	v50 =	vld.idx.msk [tilespmem:v10+s5+$0x0], $0xffff;
	v10 =	vadd.s32 v2, v37;
	v47 =	vmul.f32 v47, v24;
	[tilespmem:s25+$0x90] =	vst v60  }
0x95: {  	v49 =	vadd.s32 v3, v46;
	v52 =	vld.idx.msk [tilespmem:v61+s5+$0x0], $0xffff;
	[tilespmem:s24+$0xFFFFFE60] =	vst v9;
	v9 =	vmul.f32 v54, v25  }
0x96: {  	v11 =	vadd.s32 v1, v35;
	v44 =	vld.idx.msk [tilespmem:v44+s5+$0x0], $0xffff;
	[tilespmem:s24+$0xFFFFFEE0] =	vst v47;
	v48 =	vmul.f32 v48, v27  }
0x97: {  	v60 =	vadd.s32 v5, v42;
	v56 =	vmul.f32 v62, v29;
	v61 =	vld.idx.msk [tilespmem:v38+s5+$0x0], $0xffff;
	[tilespmem:s24+$0x1D0] =	vst v9  }
0x98: {  	v63 =	vadd.s32 v2, v36;
	v62 =	vmul.f32 v57, v28;
	v45 =	vld.idx.msk [tilespmem:v45+s5+$0x0], $0xffff;
	[tilespmem:s25+$0xFFFFFF90] =	vst v48  }
0x99: {  	v50 =	vmul.f32 v50, v27;
	[tilespmem:s25+$0x20] =	vst v56;
	v56 =	vadd.s32 v6, v40;
	v55 =	vld.idx.msk [tilespmem:v10+s5+$0x0], $0xffff  }
0x9a: {  	v38 =	vor.u32 $0x100, v33;
	v9 =	vadd.s32 v4, v46;
	[tilespmem:s24+$0xFFFFFF40] =	vst v62;
	v48 =	vadd.s32 v7, v39;
	v49 =	vld.idx.msk [tilespmem:v49+s5+$0x0], $0xffff  }
0x9b: {  	v52 =	vmul.f32 v52, v27;
	v10 =	vadd.s32 v0, v38;
	[tilespmem:s25+$0x190] =	vst v50;
	v50 =	vld.idx.msk [tilespmem:v11+s5+$0x0], $0xffff  }
0x9c: {  	v62 =	vadd.s32 v5, v41;
	v51 =	vmul.f32 v51, v27;
	v11 =	vadd.s32 v2, v33;
	v47 =	vld.idx.msk [tilespmem:v60+s5+$0x0], $0xffff  }
0x9d: {  	v44 =	vmul.f32 v44, v30;
	[tilespmem:s25+$0xFFFFFE10] =	vst v52;
	v60 =	vmul.f32 v61, v30;
	v61 =	vld.idx.msk [tilespmem:v63+s5+$0x0], $0xffff  }
0x9e: {  	v39 =	vadd.s32 v4, v32;
	[tilespmem:s25+$0xFFFFFE90] =	vst v51;
	v63 =	vadd.s32 v3, v37;
	v56 =	vld.idx.msk [tilespmem:v56+s5+$0x0], $0xffff  }
0x9f: {  	v40 =	vadd.s32 v7, v40;
	[tilespmem:s24+$0xFFFFFFF0] =	vst v44;
	v45 =	vmul.f32 v45, v30;
	v48 =	vld.idx.msk [tilespmem:v48+s5+$0x0], $0xffff  }
0xa0: {  	[tilespmem:s24+$0xFFFFFE70] =	vst v60;
	v60 =	vadd.s32 v2, v32;
	v55 =	vmul.f32 v55, v29;
	v54 =	vld.idx.msk [tilespmem:v10+s5+$0x0], $0xffff  }
0xa1: {  	[tilespmem:s24+$0xFFFFFEF0] =	vst v45;
	v49 =	vmul.f32 v49, v31;
	v10 =	vadd.s32 v2, v35;
	v53 =	vld.idx.msk [tilespmem:v11+s5+$0x0], $0xffff  }
0xa2: {  	v57 =	vld.idx.msk [tilespmem:v62+s5+$0x0], $0xffff;
	v11 =	vadd.s32 v3, v36;
	v50 =	vmul.f32 v50, v27;
	[tilespmem:s25+$0xFFFFFFA0] =	vst v55  }
0xa3: {  	v62 =	vadd.s32 v1, v38;
	v47 =	vmul.f32 v47, v25;
	[tilespmem:s25+$0x30] =	vst v49;
	v52 =	vld.idx.msk [tilespmem:v63+s5+$0x0], $0xffff  }
0xa4: {  	v44 =	vmul.f32 v61, v29;
	[tilespmem:s25+$0x110] =	vst v50;
	v61 =	vadd.s32 v3, v33;
	v58 =	vld.idx.msk [tilespmem:v9+s5+$0x0], $0xffff  }
0xa5: {  	v49 =	vadd.s32 v2, v34;
	[tilespmem:s24+$0xFFFFFF50] =	vst v47;
	v56 =	vmul.f32 v56, v24;
	v50 =	vld.idx.msk [tilespmem:v60+s5+$0x0], $0xffff  }
0xa6: {  	v63 =	vadd.s32 v6, v41;
	[tilespmem:s25+$0x1A0] =	vst v44;
	v45 =	vld.idx.msk [tilespmem:v10+s5+$0x0], $0xffff;
	v53 =	vmul.f32 v53, v29  }
0xa7: {  	v9 =	vadd.s32 v5, v46;
	v55 =	vld.idx.msk [tilespmem:v11+s5+$0x0], $0xffff;
	v54 =	vmul.f32 v54, v26;
	[tilespmem:s24+$0x1E0] =	vst v56  }
0xa8: {  	v57 =	vmul.f32 v57, v25;
	[tilespmem:s25+$0xFFFFFE20] =	vst v53;
	v53 =	vadd.s32 v6, v42;
	v40 =	vld.idx.msk [tilespmem:v40+s5+$0x0], $0xffff  }
0xa9: {  	v47 =	vadd.s32 v4, v36;
	[tilespmem:s25+$0xFFFFFF00] =	vst v54;
	v10 =	vld.idx.msk [tilespmem:v61+s5+$0x0], $0xffff;
	v58 =	vmul.f32 v58, v28  }
0xaa: {  	v44 =	vmul.f32 v48, v30;
	v11 =	vadd.s32 v3, v35;
	[tilespmem:s24+$0xD0] =	vst v57;
	v56 =	vld.idx.msk [tilespmem:v62+s5+$0x0], $0xffff  }
0xab: {  	v60 =	vadd.s32 v3, v32;
	v51 =	vld.idx.msk [tilespmem:v63+s5+$0x0], $0xffff;
	v50 =	vmul.f32 v50, v29;
	[tilespmem:s25+$0x40] =	vst v58  }
0xac: {  	v61 =	vadd.s32 v7, v41;
	v41 =	vadd.s32 v4, v37;
	v45 =	vmul.f32 v45, v29;
	v54 =	vld.idx.msk [tilespmem:v9+s5+$0x0], $0xffff  }
0xad: {  	v48 =	vadd.s32 v6, v37;
	v63 =	vmul.f32 v55, v31;
	[tilespmem:s25+$0xFFFFFEA0] =	vst v50;
	v55 =	vld.idx.msk [tilespmem:v53+s5+$0x0], $0xffff  }
0xae: {  	v58 =	vadd.s32 v4, v33;
	v9 =	vmul.f32 v52, v31;
	[tilespmem:s25+$0x120] =	vst v45;
	v53 =	vld.idx.msk [tilespmem:v49+s5+$0x0], $0xffff  }
0xaf: {  	v40 =	vmul.f32 v40, v30;
	[tilespmem:s25+$0x1B0] =	vst v63;
	v62 =	vld.idx.msk [tilespmem:v11+s5+$0x0], $0xffff;
	v11 =	vadd.s32 v2, v38  }
0xb0: {  	v57 =	vadd.s32 v4, v35;
	v10 =	vmul.f32 v10, v31;
	v47 =	vld.idx.msk [tilespmem:v47+s5+$0x0], $0xffff;
	[tilespmem:s25+$0xFFFFFFB0] =	vst v9  }
0xb1: {  	v63 =	vmul.f32 v56, v27;
	v56 =	vadd.s32 v6, v46;
	[tilespmem:s24+$0x1F0] =	vst v40;
	v45 =	vld.idx.msk [tilespmem:v41+s5+$0x0], $0xffff  }
0xb2: {  	v42 =	vadd.s32 v7, v42;
	v9 =	vmul.f32 v51, v24;
	v41 =	vld.idx.msk [tilespmem:v60+s5+$0x0], $0xffff;
	[tilespmem:s25+$0xFFFFFE30] =	vst v10  }
0xb3: {  	v46 =	vadd.s32 v7, v46;
	[tilespmem:s25+$0xFFFFFF10] =	vst v63;
	v52 =	vld.idx.msk [tilespmem:v58+s5+$0x0], $0xffff;
	v10 =	vmul.f32 v54, v25  }
0xb4: {  	v51 =	vadd.s32 v5, v35;
	[tilespmem:s24+$0xE0] =	vst v9;
	v59 =	vld.idx.msk [tilespmem:v11+s5+$0x0], $0xffff;
	v11 =	vmul.f32 v55, v24  }
0xb5: {  	s29 =	simm.s32 $0x8;
	s28 =	sshll.u32 s26, $0x12;
	v54 =	vadd.s32 v5, v37;
	v49 =	vld.idx.msk [tilespmem:v61+s5+$0x0], $0xffff;
	[tilespmem:s25+$0x50] =	vst v10;
	v60 =	vmul.f32 v62, v31  }
0xb6: {  	s26 =	sor.u32 s7, s26;
	s28 =	ssub.s32 $0x0, s28;
	s23 =	sshll.u32 s22, $0x1;
	v40 =	vadd.s32 $0x8, v43;
	v58 =	vadd.s32 v3, v34;
	v55 =	vadd.s32 v5, v33;
	v56 =	vld.idx.msk [tilespmem:v56+s5+$0x0], $0xffff;
	[tilespmem:s24+$0xFFFFFF60] =	vst v11  }
.LBB2_3:
0xb7: {  	v50 =	vshll.u32 v40, $0x7;
	s29 =	sadd.s32 $0x8, s29;
	v61 =	vadd.s32 v3, v38;
	v43 =	vmul.f32 v45, v28;
	[tilespmem:s25+$0x130] =	vst v60;
	v60 =	vld.idx.msk [tilespmem:v42+s5+$0x0], $0xffff  }
0xb8: {  	v62 =	vmul.f32 v52, v28;
	v42 =	vor.u32 $0x80, v50;
	v45 =	vor.u32 $0x380, v50;
	p1 =	slt.u32 s29, $0x78;
	v57 =	vld.idx.msk [tilespmem:v57+s5+$0x0], $0xffff;
	[tilespmem:s24+$0x170] =	vst v44  }
0xb9: {  	v52 =	vor.u32 $0x180, v50;
	v8 =	vmul.f32 v41, v31;
	v63 =	vadd.s32 v0, v42;
	[tilespmem:s25+$0xFFFFFFC0] =	vst v43  }
0xba: {  	v44 =	vor.u32 $0x100, v50;
	v41 =	vor.u32 $0x200, v50;
	v59 =	vmul.f32 v59, v29;
	[tilespmem:s25+$0xFFFFFE40] =	vst v62;
	v54 =	vld.idx.msk [tilespmem:v54+s5+$0x0], $0xffff  }
0xbb: {  	v55 =	vld.idx.msk [tilespmem:v55+s5+$0x0], $0xffff;
	[tilespmem:s25+$0xFFFFFEB0] =	vst v8;
	v8 =	vmul.f32 v53, v29;
	v53 =	vmul.f32 v49, v30  }
0xbc: {  	v43 =	vor.u32 $0x280, v50;
	v62 =	vadd.s32 v0, v41;
	v9 =	vld.idx.msk [tilespmem:v39+s5+$0x0], $0xffff;
	[tilespmem:s25+$0xFFFFFF20] =	vst v59;
	v39 =	vmul.f32 v56, v24  }
0xbd: {  	v49 =	vor.u32 $0x300, v50;
	v56 =	vadd.s32 v0, v43;
	v59 =	vld.idx.msk [tilespmem:v61+s5+$0x0], $0xffff;
	[tilespmem:s25+$0xA0] =	vst v8;
	v8 =	vmul.f32 v60, v30  }
0xbe: {  	v61 =	vadd.s32 v0, v49;
	v57 =	vmul.f32 v57, v28;
	v60 =	vld.idx.msk [tilespmem:v63+s5+$0x0], $0xffff;
	[tilespmem:s25+$0x60] =	vst v39  }
0xbf: {  	v39 =	vadd.s32 v4, v42;
	v63 =	vadd.s32 v0, v45;
	v58 =	vld.idx.msk [tilespmem:v58+s5+$0x0], $0xffff;
	[tilespmem:s24+$0xFFFFFF70] =	vst v8  }
0xc0: {  	v8 =	vmul.f32 v54, v25;
	v46 =	vld.idx.msk [tilespmem:v46+s5+$0x0], $0xffff;
	[tilespmem:s24+$0xF0] =	vst v53;
	s24 =	smov.u32 s25  }
0xc1: {  	v54 =	vmul.f32 v55, v25;
	v55 =	vadd.s32 v5, v32;
	v53 =	vld.idx.msk [tilespmem:v62+s5+$0x0], $0xffff;
	[tilespmem:s25+$0x140] =	vst v57  }
0xc2: {  	v57 =	vadd.s32 v0, v52;
	v9 =	vmul.f32 v9, v28;
	[tilespmem:s25+$0xFFFFFFD0] =	vst v8;
	v8 =	vld.idx.msk [tilespmem:v51+s5+$0x0], $0xffff  }
0xc3: {  	v51 =	vmul.f32 v59, v31;
	[tilespmem:s25+$0xFFFFFE50] =	vst v54;
	v54 =	vadd.s32 v4, v38;
	v48 =	vld.idx.msk [tilespmem:v48+s5+$0x0], $0xffff  }
0xc4: {  	v59 =	vmul.f32 v60, v26;
	s25 =	sadd.s32 $0x400, s25;
	v56 =	vld.idx.msk [tilespmem:v56+s5+$0x0], $0xffff;
	[tilespmem:s24+$0xFFFFFEC0] =	vst v9;
	v9 =	vadd.s32 v4, v34  }
0xc5: {  	v60 =	vadd.s32 v1, v41;
	v61 =	vld.idx.msk [tilespmem:v61+s5+$0x0], $0xffff;
	[tilespmem:s24+$0xFFFFFF30] =	vst v51;
	v51 =	vmul.f32 v58, v31  }
0xc6: {  	v62 =	vadd.s32 v6, v35;
	v58 =	vadd.s32 v1, v43;
	[tilespmem:s25+$0xFFFFFE80] =	vst v59;
	v59 =	vld.idx.msk [tilespmem:v63+s5+$0x0], $0xffff  }
0xc7: {  	v53 =	vmul.f32 v53, v26;
	v63 =	vadd.s32 v1, v49;
	v55 =	vld.idx.msk [tilespmem:v55+s5+$0x0], $0xffff;
	[tilespmem:s24+$0xB0] =	vst v51  }
0xc8: {  	v10 =	vadd.s32 v5, v36;
	v51 =	vadd.s32 v1, v45;
	v8 =	vmul.f32 v8, v25;
	v54 =	vld.idx.msk [tilespmem:v54+s5+$0x0], $0xffff  }
0xc9: {  	v47 =	vmul.f32 v47, v28;
	v11 =	vadd.s32 v0, v50;
	v57 =	vld.idx.msk [tilespmem:v57+s5+$0x0], $0xffff;
	[tilespmem:s25+$0x0] =	vst v53  }
0xca: {  	v53 =	vadd.s32 v1, v42;
	v56 =	vmul.f32 v56, v26;
	v60 =	vld.idx.msk [tilespmem:v60+s5+$0x0], $0xffff;
	[tilespmem:s24+$0x150] =	vst v8  }
0xcb: {  	v46 =	vmul.f32 v46, v30;
	v8 =	vadd.s32 v6, v33;
	v62 =	vld.idx.msk [tilespmem:v62+s5+$0x0], $0xffff;
	[tilespmem:s24+$0x1C0] =	vst v47  }
0xcc: {  	v47 =	vmul.f32 v61, v26;
	[tilespmem:s25+$0x80] =	vst v56;
	v56 =	vadd.s32 v6, v32;
	v9 =	vld.idx.msk [tilespmem:v9+s5+$0x0], $0xffff  }
0xcd: {  	v61 =	vadd.s32 v1, v52;
	v59 =	vmul.f32 v59, v26;
	v58 =	vld.idx.msk [tilespmem:v58+s5+$0x0], $0xffff;
	[tilespmem:s24+$0x70] =	vst v46  }
0xce: {  	v12 =	vadd.s32 v2, v41;
	v11 =	vld.idx.msk [tilespmem:v11+s5+$0x0], $0xffff;
	[tilespmem:s25+$0x100] =	vst v47;
	v47 =	vmul.f32 v55, v25  }
0xcf: {  	v46 =	vadd.s32 v2, v43;
	v55 =	vmul.f32 v57, v26;
	v53 =	vld.idx.msk [tilespmem:v53+s5+$0x0], $0xffff;
	[tilespmem:s25+$0x180] =	vst v59  }
0xd0: {  	v57 =	vmul.f32 v60, v27;
	v59 =	vadd.s32 v2, v49;
	v8 =	vld.idx.msk [tilespmem:v8+s5+$0x0], $0xffff;
	[tilespmem:s24+$0xFFFFFED0] =	vst v47  }
0xd1: {  	v47 =	vadd.s32 v2, v45;
	[tilespmem:s25+$0xFFFFFF80] =	vst v55;
	v55 =	vld.idx.msk [tilespmem:v56+s5+$0x0], $0xffff;
	v56 =	vmul.f32 v62, v24  }
0xd2: {  	v9 =	vmul.f32 v9, v28;
	v60 =	vld.idx.msk [tilespmem:v61+s5+$0x0], $0xffff;
	[tilespmem:s25+$0x10] =	vst v57;
	v57 =	vadd.s32 v7, v37;
	v37 =	vmov v52  }
0xd3: {  	v52 =	vadd.s32 v1, v50;
	v58 =	vmul.f32 v58, v27;
	v12 =	vld.idx.msk [tilespmem:v12+s5+$0x0], $0xffff;
	[tilespmem:s24+$0x160] =	vst v56  }
0xd4: {  	v48 =	vmul.f32 v48, v24;
	v61 =	vadd.s32 v7, v33;
	v33 =	vmov v50;
	v56 =	vld.idx.msk [tilespmem:v63+s5+$0x0], $0xffff;
	[tilespmem:s24+$0xC0] =	vst v9  }
0xd5: {  	v50 =	vadd.s32 v7, v32;
	v32 =	vmov v42;
	v9 =	vmul.f32 v11, v26;
	[tilespmem:s25+$0x90] =	vst v58;
	v11 =	vld.idx.msk [tilespmem:v51+s5+$0x0], $0xffff  }
0xd6: {  	v51 =	vadd.s32 v2, v37;
	v8 =	vmul.f32 v8, v24;
	[tilespmem:s24+$0xFFFFFFE0] =	vst v48;
	v10 =	vld.idx.msk [tilespmem:v10+s5+$0x0], $0xffff  }
0xd7: {  	v42 =	vmul.f32 v55, v24;
	[tilespmem:s25+$0xFFFFFE00] =	vst v9;
	v9 =	vadd.s32 v3, v41;
	v48 =	vld.idx.msk [tilespmem:v57+s5+$0x0], $0xffff  }
0xd8: {  	v55 =	vmul.f32 v60, v27;
	v52 =	vld.idx.msk [tilespmem:v52+s5+$0x0], $0xffff;
	[tilespmem:s24+$0xFFFFFE60] =	vst v8;
	v8 =	vadd.s32 v5, v38  }
0xd9: {  	v12 =	vmul.f32 v12, v29;
	v57 =	vld.idx.msk [tilespmem:v61+s5+$0x0], $0xffff;
	[tilespmem:s24+$0xFFFFFEE0] =	vst v42;
	v42 =	vadd.s32 v7, v38  }
0xda: {  	v54 =	vmul.f32 v54, v28;
	[tilespmem:s25+$0xFFFFFF90] =	vst v55;
	v50 =	vld.idx.msk [tilespmem:v50+s5+$0x0], $0xffff;
	v55 =	vadd.s32 v6, v36  }
0xdb: {  	v58 =	vadd.s32 v0, v44;
	v11 =	vmul.f32 v11, v27;
	v51 =	vld.idx.msk [tilespmem:v51+s5+$0x0], $0xffff;
	[tilespmem:s25+$0x20] =	vst v12  }
0xdc: {  	v12 =	vadd.s32 v2, v33;
	v10 =	vmul.f32 v10, v25;
	v9 =	vld.idx.msk [tilespmem:v9+s5+$0x0], $0xffff;
	[tilespmem:s24+$0xFFFFFF40] =	vst v54  }
0xdd: {  	[tilespmem:s25+$0x190] =	vst v11;
	v8 =	vld.idx.msk [tilespmem:v8+s5+$0x0], $0xffff;
	v11 =	vmul.f32 v48, v30;
	v48 =	vadd.s32 v7, v35;
	v35 =	vmov v49  }
0xde: {  	v49 =	vmul.f32 v52, v27;
	v52 =	vadd.s32 v5, v34;
	v47 =	vld.idx.msk [tilespmem:v47+s5+$0x0], $0xffff;
	[tilespmem:s24+$0x1D0] =	vst v10  }
0xdf: {  	v10 =	vadd.s32 v3, v37;
	v54 =	vmul.f32 v57, v30;
	[tilespmem:s24+$0xFFFFFFF0] =	vst v11;
	v11 =	vld.idx.msk [tilespmem:v55+s5+$0x0], $0xffff  }
0xe0: {  	v55 =	vadd.s32 v4, v41;
	v50 =	vmul.f32 v50, v30;
	[tilespmem:s25+$0xFFFFFE10] =	vst v49;
	v49 =	vld.idx.msk [tilespmem:v58+s5+$0x0], $0xffff  }
0xe1: {  	v51 =	vmul.f32 v51, v29;
	v12 =	vld.idx.msk [tilespmem:v12+s5+$0x0], $0xffff;
	[tilespmem:s24+$0xFFFFFE70] =	vst v54;
	v54 =	vadd.s32 v7, v36;
	v36 =	vmov v45  }
0xe2: {  	v9 =	vmul.f32 v9, v31;
	v45 =	vadd.s32 v3, v36;
	[tilespmem:s24+$0xFFFFFEF0] =	vst v50;
	v48 =	vld.idx.msk [tilespmem:v48+s5+$0x0], $0xffff  }
0xe3: {  	v50 =	vmul.f32 v56, v27;
	v8 =	vmul.f32 v8, v25;
	[tilespmem:s25+$0xFFFFFFA0] =	vst v51;
	v51 =	vld.idx.msk [tilespmem:v52+s5+$0x0], $0xffff  }
0xe4: {  	v52 =	vadd.s32 v2, v32;
	v10 =	vld.idx.msk [tilespmem:v10+s5+$0x0], $0xffff;
	[tilespmem:s25+$0x30] =	vst v9;
	v9 =	vmul.f32 v47, v29  }
0xe5: {  	v47 =	vadd.s32 v3, v33;
	v11 =	vmul.f32 v11, v24;
	v55 =	vld.idx.msk [tilespmem:v55+s5+$0x0], $0xffff;
	[tilespmem:s25+$0x110] =	vst v50  }
0xe6: {  	v50 =	vmul.f32 v53, v27;
	v53 =	vadd.s32 v1, v44;
	v56 =	vld.idx.msk [tilespmem:v59+s5+$0x0], $0xffff;
	[tilespmem:s25+$0x1A0] =	vst v9  }
0xe7: {  	v9 =	vmul.f32 v12, v29;
	v12 =	vld.idx.msk [tilespmem:v45+s5+$0x0], $0xffff;
	v45 =	vadd.s32 v6, v34;
	[tilespmem:s24+$0x1E0] =	vst v11  }
0xe8: {  	v11 =	vmul.f32 v49, v26;
	v49 =	vadd.s32 v6, v38;
	v38 =	vmov v44;
	[tilespmem:s25+$0xFFFFFE90] =	vst v50;
	v50 =	vld.idx.msk [tilespmem:v54+s5+$0x0], $0xffff  }
0xe9: {  	v51 =	vmul.f32 v51, v25;
	[tilespmem:s25+$0xFFFFFE20] =	vst v9;
	v9 =	vld.idx.msk [tilespmem:v52+s5+$0x0], $0xffff;
	v52 =	vadd.s32 v5, v41  }
0xea: {  	v44 =	vmul.f32 v48, v30;
	v47 =	vld.idx.msk [tilespmem:v47+s5+$0x0], $0xffff;
	[tilespmem:s25+$0xFFFFFF00] =	vst v11;
	v11 =	vadd.s32 v3, v35  }
0xeb: {  	v48 =	vmul.f32 v55, v28;
	v54 =	vld.idx.msk [tilespmem:v53+s5+$0x0], $0xffff;
	v53 =	vadd.s32 v4, v36;
	[tilespmem:s24+$0xD0] =	vst v51  }
0xec: {  	v55 =	vadd.s32 v7, v34;
	v34 =	vmov v43;
	v51 =	vmul.f32 v56, v29;
	[tilespmem:s24+$0xFFFFFF50] =	vst v8;
	v8 =	vld.idx.msk [tilespmem:v45+s5+$0x0], $0xffff  }
0xed: {  	v43 =	vadd.s32 v4, v37;
	v12 =	vmul.f32 v12, v31;
	[tilespmem:s25+$0x40] =	vst v48;
	v49 =	vld.idx.msk [tilespmem:v49+s5+$0x0], $0xffff  }
0xee: {  	v56 =	vadd.s32 v4, v33;
	v45 =	vmul.f32 v50, v30;
	v57 =	vld.idx.msk [tilespmem:v52+s5+$0x0], $0xffff;
	[tilespmem:s25+$0x120] =	vst v51  }
0xef: {  	v10 =	vmul.f32 v10, v31;
	v50 =	vadd.s32 v3, v32;
	v11 =	vld.idx.msk [tilespmem:v11+s5+$0x0], $0xffff;
	[tilespmem:s25+$0x1B0] =	vst v12  }
0xf0: {  	v51 =	vadd.s32 v2, v38;
	v12 =	vmul.f32 v47, v31;
	v47 =	vld.idx.msk [tilespmem:v53+s5+$0x0], $0xffff;
	[tilespmem:s24+$0x1F0] =	vst v45  }
0xf1: {  	v48 =	vadd.s32 v6, v37;
	v9 =	vmul.f32 v9, v29;
	[tilespmem:s25+$0xFFFFFFB0] =	vst v10;
	v53 =	vld.idx.msk [tilespmem:v46+s5+$0x0], $0xffff  }
0xf2: {  	v10 =	vmul.f32 v54, v27;
	[tilespmem:s25+$0xFFFFFE30] =	vst v12;
	v45 =	vld.idx.msk [tilespmem:v43+s5+$0x0], $0xffff;
	v12 =	vadd.s32 v6, v41  }
.Ltmp2:
0xf3: {  	v46 =	vadd.s32 v7, v41;
	v8 =	vmul.f32 v8, v24;
	v52 =	vld.idx.msk [tilespmem:v56+s5+$0x0], $0xffff;
	[tilespmem:s25+$0xFFFFFEA0] =	vst v9;
	(pc) =	sbr.rel @p1 .LBB2_3-.Ltmp2, $4  }
0xf4: {  	v9 =	vmul.f32 v57, v25;
	v57 =	vadd.s32 v4, v35;
	v41 =	vld.idx.msk [tilespmem:v50+s5+$0x0], $0xffff;
	[tilespmem:s25+$0xFFFFFF10] =	vst v10  }
0xf5: {  	v10 =	vmul.f32 v49, v24;
	v59 =	vld.idx.msk [tilespmem:v51+s5+$0x0], $0xffff;
	v51 =	vadd.s32 v5, v35;
	[tilespmem:s24+$0xE0] =	vst v8  }
0xf6: {  	v54 =	vadd.s32 v5, v37;
	v60 =	vmul.f32 v11, v31;
	[tilespmem:s25+$0x50] =	vst v9;
	v49 =	vld.idx.msk [tilespmem:v55+s5+$0x0], $0xffff  }
0xf7: {  	v40 =	vadd.s32 $0x8, v40;
	v58 =	vadd.s32 v3, v34;
	v55 =	vadd.s32 v5, v33;
	v56 =	vld.idx.msk [tilespmem:v12+s5+$0x0], $0xffff;
	[tilespmem:s24+$0xFFFFFF60] =	vst v10  }
0xf8: {  	v8 =	vadd.s32 v3, v38;
	_ =	sdelay $0x1  }
0xf9: {  	v9 =	vmul.f32 v59, v29  }
0xfa: {  	v10 =	vmul.f32 v53, v29  }
0xfb: {  	[tilespmem:s25+$0xFFFFFF20] =	vst v9  }
0xfc: {  	[tilespmem:s25+$0xA0] =	vst v10;
	v8 =	vld.idx.msk [tilespmem:v8+s5+$0x0], $0xffff  }
0xfd: {  	v53 =	vld.idx.msk [tilespmem:v58+s5+$0x0], $0xffff  }
0xfe: {  	v58 =	vmul.f32 v41, v31  }
0xff: {  	v11 =	vadd.s32 v4, v38  }
0x100: {  	v59 =	vadd.s32 v4, v34;
	[tilespmem:s25+$0xFFFFFEB0] =	vst v58  }
0x101: {  	[tilespmem:s25+$0x130] =	vst v60;
	v12 =	vld.idx.msk [tilespmem:v39+s5+$0x0], $0xffff;
	v8 =	vmul.f32 v8, v31  }
0x102: {  	[tilespmem:s24+$0x170] =	vst v44;
	v9 =	vmul.f32 v53, v31  }
0x103: {  	v61 =	vmul.f32 v45, v28;
	v40 =	vld.idx.msk [tilespmem:v57+s5+$0x0], $0xffff;
	[tilespmem:s25+$0xFFFFFF30] =	vst v8  }
0x104: {  	v62 =	vadd.s32 v5, v32;
	[tilespmem:s25+$0xB0] =	vst v9;
	v8 =	vmul.f32 v52, v28;
	v63 =	vld.idx.msk [tilespmem:v11+s5+$0x0], $0xffff  }
0x105: {  	v50 =	vadd.s32 v5, v36;
	[tilespmem:s25+$0xFFFFFFC0] =	vst v61;
	v45 =	vmul.f32 v56, v24;
	v10 =	vld.idx.msk [tilespmem:v59+s5+$0x0], $0xffff  }
0x106: {  	v42 =	vld.idx.msk [tilespmem:v42+s5+$0x0], $0xffff;
	[tilespmem:s25+$0xFFFFFE40] =	vst v8;
	v8 =	vmul.f32 v12, v28  }
0x107: {  	v43 =	vadd.s32 v5, v38;
	[tilespmem:s25+$0x60] =	vst v45;
	v52 =	vmul.f32 v47, v28;
	v12 =	vld.idx.msk [tilespmem:v54+s5+$0x0], $0xffff  }
0x108: {  	v40 =	vmul.f32 v40, v28;
	v53 =	vld.idx.msk [tilespmem:v55+s5+$0x0], $0xffff;
	[tilespmem:s25+$0xFFFFFEC0] =	vst v8;
	v8 =	vadd.s32 v5, v34  }
0x109: {  	[tilespmem:s25+$0x1C0] =	vst v52;
	v41 =	vld.idx.msk [tilespmem:v62+s5+$0x0], $0xffff;
	v9 =	vmul.f32 v63, v28  }
0x10a: {  	[tilespmem:s25+$0x140] =	vst v40;
	v11 =	vld.idx.msk [tilespmem:v50+s5+$0x0], $0xffff;
	v10 =	vmul.f32 v10, v28  }
0x10b: {  	v40 =	vld.idx.msk [tilespmem:v51+s5+$0x0], $0xffff;
	v54 =	vmul.f32 v42, v30;
	v55 =	vadd.s32 v6, v33;
	[tilespmem:s25+$0xFFFFFF40] =	vst v9  }
0x10c: {  	[tilespmem:s25+$0xC0] =	vst v10;
	v56 =	vmul.f32 v12, v25;
	v12 =	vadd.s32 v6, v32;
	v57 =	vld.idx.msk [tilespmem:v43+s5+$0x0], $0xffff  }
0x10d: {  	v59 =	vadd.s32 v6, v36;
	[tilespmem:s24+$0xFFFFFF70] =	vst v54;
	v58 =	vmul.f32 v53, v25;
	v8 =	vld.idx.msk [tilespmem:v8+s5+$0x0], $0xffff  }
0x10e: {  	v60 =	vadd.s32 v6, v35;
	[tilespmem:s25+$0xFFFFFFD0] =	vst v56;
	v41 =	vmul.f32 v41, v25  }
0x10f: {  	v62 =	vadd.s32 v6, v38;
	v11 =	vmul.f32 v11, v25;
	[tilespmem:s25+$0xFFFFFE50] =	vst v58;
	v61 =	vld.idx.msk [tilespmem:v48+s5+$0x0], $0xffff  }
0x110: {  	v40 =	vmul.f32 v40, v25;
	v63 =	vadd.s32 v6, v34;
	v42 =	vld.idx.msk [tilespmem:v55+s5+$0x0], $0xffff;
	[tilespmem:s25+$0xFFFFFED0] =	vst v41  }
0x111: {  	[tilespmem:s25+$0x1D0] =	vst v11;
	v12 =	vld.idx.msk [tilespmem:v12+s5+$0x0], $0xffff;
	v10 =	vmul.f32 v57, v25  }
0x112: {  	v45 =	vadd.s32 v7, v37;
	[tilespmem:s25+$0x150] =	vst v40;
	v47 =	vld.idx.msk [tilespmem:v59+s5+$0x0], $0xffff;
	v8 =	vmul.f32 v8, v25  }
0x113: {  	v9 =	vld.idx.msk [tilespmem:v60+s5+$0x0], $0xffff;
	v48 =	vmul.f32 v49, v30;
	v49 =	vadd.s32 v7, v33;
	[tilespmem:s25+$0xFFFFFF50] =	vst v10  }
0x114: {  	v51 =	vadd.s32 v7, v32;
	v50 =	vmul.f32 v61, v24;
	[tilespmem:s25+$0xD0] =	vst v8;
	v8 =	vld.idx.msk [tilespmem:v62+s5+$0x0], $0xffff  }
0x115: {  	v53 =	vadd.s32 v7, v36;
	[tilespmem:s24+$0xF0] =	vst v48;
	v52 =	vmul.f32 v42, v24;
	v54 =	vld.idx.msk [tilespmem:v63+s5+$0x0], $0xffff  }
0x116: {  	v55 =	vld.idx.msk [tilespmem:v46+s5+$0x0], $0xffff;
	[tilespmem:s25+$0xFFFFFFE0] =	vst v50;
	v56 =	vmul.f32 v12, v24;
	v12 =	vadd.s32 v7, v35  }
0x117: {  	v57 =	vadd.s32 v7, v38;
	v37 =	vmul.f32 v47, v24;
	v11 =	vld.idx.msk [tilespmem:v45+s5+$0x0], $0xffff;
	[tilespmem:s25+$0xFFFFFE60] =	vst v52  }
0x118: {  	v58 =	vadd.s32 v7, v34;
	v9 =	vmul.f32 v9, v24;
	v33 =	vld.idx.msk [tilespmem:v49+s5+$0x0], $0xffff;
	[tilespmem:s25+$0xFFFFFEE0] =	vst v56  }
0x119: {  	[tilespmem:s25+$0x1E0] =	vst v37;
	v32 =	vld.idx.msk [tilespmem:v51+s5+$0x0], $0xffff;
	v8 =	vmul.f32 v8, v24  }
0x11a: {  	[tilespmem:s25+$0x160] =	vst v9;
	v59 =	vld.idx.msk [tilespmem:v53+s5+$0x0], $0xffff;
	v60 =	vmul.f32 v54, v24  }
0x11b: {  	v61 =	vmul.f32 v55, v30;
	v12 =	vld.idx.msk [tilespmem:v12+s5+$0x0], $0xffff;
	[tilespmem:s25+$0xFFFFFF60] =	vst v8  }
0x11c: {  	v8 =	vmul.f32 v11, v30;
	[tilespmem:s25+$0xE0] =	vst v60;
	v62 =	vld.idx.msk [tilespmem:v57+s5+$0x0], $0xffff  }
0x11d: {  	[tilespmem:s25+$0x70] =	vst v61;
	v33 =	vmul.f32 v33, v30;
	v10 =	vld.idx.msk [tilespmem:v58+s5+$0x0], $0xffff  }
0x11e: {  	[tilespmem:s25+$0xFFFFFFF0] =	vst v8;
	v8 =	vmul.f32 v32, v30  }
0x11f: {  	v9 =	vmul.f32 v59, v30;
	[tilespmem:s25+$0xFFFFFE70] =	vst v33  }
0x120: {  	s30 =	sshll.u32 s22, $0xF;
	p1 =	sne.s32 s22, $0xF;
	[tilespmem:s25+$0xFFFFFEF0] =	vst v8;
	v8 =	vmul.f32 v12, v30  }
.Ltmp3:
0x121: {  	s26 =	sshll.u32 s26, $0x12;
	s24 =	sadd.s32 s30, s28;
	[tilespmem:s25+$0x1F0] =	vst v9;
	v63 =	vmul.f32 v62, v30;
	(pc) =	sbr.rel @p1 .LBB2_6-.Ltmp3, $4  }
0x122: {  	s24 =	sadd.s32 s26, s24;
	[tilespmem:s25+$0x170] =	vst v8;
	v8 =	vmul.f32 v10, v30  }
0x123: {  	s26 =	sshrl.u32 s24, $0x3;
	[tilespmem:s25+$0xFFFFFF70] =	vst v63  }
0x124: {  	s31 =	sadd.s32 s4, s26;
	[tilespmem:s25+$0xF0] =	vst v8  }
0x125: {  	[hbm4b:s31+s5] =	stream.linear.scatter [tilespmem:s16], [sflag:$0x3], $0x4000, $0x38;
	[tilespmem:$0x10180] =	vst v63  }
.Ltmp4:
0x126: {  	(pc) =	sbr.rel .LBB2_7-.Ltmp4, $4  }
0x127: {  	_ = 	snop  }
0x128: {  	_ =	swait.ge [sflag:s17], $0x4000  }
0x129: {  	[sflag:s17] =	ssyncset.done $0x0  }
0x12a: {  	[sflag:s17] =	ssyncadd.s32 $0xFFFFC000  }
.LBB2_6:
0x12b: {  	s25 =	sadd.s32 $0x2, s23  }
0x12c: {  	s26 =	sshrl.u32 s25, $0x4  }
0x12d: {  	s25 =	sshll.u32 s25, $0xE;
	s28 =	sadd.s32 s7, s26;
	s26 =	sshll.u32 s26, $0x12  }
0x12e: {  	s28 =	sshll.u32 s28, $0x12;
	s25 =	ssub.s32 s25, s26  }
0x12f: {  	s25 =	sadd.s32 s28, s25  }
0x130: {  	s25 =	sshrl.u32 s25, $0x3  }
.Ltmp5:
0x131: {  	s25 =	sadd.s32 s1, s25;
	(pc) =	sbr.rel @p0 .LBB2_8-.Ltmp5, $4  }
0x132: {  	[tilespmem:s5], [sflag:$0x1] =	stream.linear.gather [hbm4b:s25+s5], $0x4000, $0x38;
	[tilespmem:$0x10180] =	vst v63  }
0x133: {  	_ =	swait.ge [sflag:s17], $0x4000  }
0x134: {  	[sflag:s17] =	ssyncset.done $0x0  }
0x135: {  	[sflag:s17] =	ssyncadd.s32 $0xFFFFC000  }
.LBB2_7:
0x136: {  	_ =	swait.ge [sflag:s18], $0x4000  }
0x137: {  	[sflag:s18] =	ssyncset.done $0x0  }
0x138: {  	[sflag:s18] =	ssyncadd.s32 $0xFFFFC000  }
.LBB2_8:
0x139: {  	v32 =	vimm.s32 $0x0  }
0x13a: {  	v39 =	vshll.u32 v32, $0x7  }
0x13b: {  	v34 =	vor.u32 $0x200, v39  }
0x13c: {  	v8 =	vadd.s32 v0, v34;
	_ =	sdelay $0x4  }
0x13d: {  	v8 =	vld.idx.msk [tilespmem:v8+s14+$0x0], $0xffff;
	_ =	sdelay $0x2  }
0x13e: {  	v9 =	vadd.s32 v1, v34  }
0x13f: {  	v41 =	vor.u32 $0x180, v39  }
0x140: {  	v10 =	vadd.s32 v0, v41;
	v8 =	vmul.f32 v8, v26  }
0x141: {  	s25 =	simm.s32 $0xC200;
	v11 =	vadd.s32 v0, v39  }
0x142: {  	v42 =	vor.u32 $0x380, v39;
	[tilespmem:s25+$0x0] =	vst v8  }
0x143: {  	v40 =	vadd.s32 v0, v42;
	v8 =	vld.idx.msk [tilespmem:v9+s14+$0x0], $0xffff  }
0x144: {  	v46 =	vor.u32 $0x80, v39  }
0x145: {  	v37 =	vadd.s32 v0, v46;
	v10 =	vld.idx.msk [tilespmem:v10+s14+$0x0], $0xffff  }
0x146: {  	v44 =	vor.u32 $0x300, v39;
	v12 =	vadd.s32 v2, v34;
	v11 =	vld.idx.msk [tilespmem:v11+s14+$0x0], $0xffff  }
0x147: {  	v33 =	vadd.s32 v0, v44  }
0x148: {  	v35 =	vadd.s32 v1, v41;
	v9 =	vld.idx.msk [tilespmem:v40+s14+$0x0], $0xffff;
	v8 =	vmul.f32 v8, v27  }
0x149: {  	v36 =	vadd.s32 v1, v39  }
0x14a: {  	v50 =	vld.idx.msk [tilespmem:v37+s14+$0x0], $0xffff;
	v10 =	vmul.f32 v10, v26;
	[tilespmem:s25+$0x10] =	vst v8  }
0x14b: {  	v47 =	vadd.s32 v1, v42;
	v11 =	vmul.f32 v11, v26;
	v8 =	vld.idx.msk [tilespmem:v12+s14+$0x0], $0xffff  }
0x14c: {  	[tilespmem:s25+$0xFFFFFF80] =	vst v10;
	v12 =	vld.idx.msk [tilespmem:v33+s14+$0x0], $0xffff  }
0x14d: {  	v45 =	vadd.s32 v1, v46;
	[tilespmem:s25+$0xFFFFFE00] =	vst v11;
	v10 =	vld.idx.msk [tilespmem:v35+s14+$0x0], $0xffff;
	v9 =	vmul.f32 v9, v26  }
0x14e: {  	v48 =	vadd.s32 v3, v34;
	v49 =	vld.idx.msk [tilespmem:v36+s14+$0x0], $0xffff  }
0x14f: {  	v51 =	vadd.s32 v1, v44;
	v53 =	vmul.f32 v50, v26;
	[tilespmem:s25+$0x180] =	vst v9  }
0x150: {  	v52 =	vadd.s32 v2, v41;
	v33 =	vld.idx.msk [tilespmem:v47+s14+$0x0], $0xffff;
	v8 =	vmul.f32 v8, v29  }
0x151: {  	v38 =	vadd.s32 v2, v39;
	v43 =	vor.u32 $0x100, v39;
	[tilespmem:s25+$0xFFFFFE80] =	vst v53;
	v12 =	vmul.f32 v12, v26  }
0x152: {  	v58 =	vld.idx.msk [tilespmem:v45+s14+$0x0], $0xffff;
	v10 =	vmul.f32 v10, v27;
	[tilespmem:s25+$0x20] =	vst v8;
	v8 =	vadd.s32 v0, v43  }
0x153: {  	v54 =	vadd.s32 v2, v42;
	v40 =	vor.u32 $0x280, v39;
	[tilespmem:s25+$0x100] =	vst v12;
	v12 =	vmul.f32 v49, v27;
	v11 =	vld.idx.msk [tilespmem:v48+s14+$0x0], $0xffff  }
0x154: {  	v55 =	vadd.s32 v0, v40;
	[tilespmem:s25+$0xFFFFFF90] =	vst v10;
	v37 =	vld.idx.msk [tilespmem:v51+s14+$0x0], $0xffff  }
0x155: {  	v9 =	vld.idx.msk [tilespmem:v52+s14+$0x0], $0xffff;
	v48 =	vadd.s32 v2, v46;
	[tilespmem:s25+$0xFFFFFE10] =	vst v12;
	v12 =	vmul.f32 v33, v27  }
0x156: {  	v56 =	vadd.s32 v4, v34;
	v57 =	vld.idx.msk [tilespmem:v38+s14+$0x0], $0xffff  }
0x157: {  	v59 =	vadd.s32 v2, v44;
	v62 =	vmul.f32 v58, v27;
	[tilespmem:s25+$0x190] =	vst v12;
	v8 =	vld.idx.msk [tilespmem:v8+s14+$0x0], $0xffff  }
0x158: {  	v12 =	vadd.s32 v3, v41;
	v36 =	vld.idx.msk [tilespmem:v54+s14+$0x0], $0xffff;
	v11 =	vmul.f32 v11, v31  }
0x159: {  	v10 =	vld.idx.msk [tilespmem:v55+s14+$0x0], $0xffff;
	[tilespmem:s25+$0xFFFFFE90] =	vst v62;
	v47 =	vadd.s32 v3, v39;
	v37 =	vmul.f32 v37, v27  }
0x15a: {  	v60 =	vadd.s32 v1, v43;
	v9 =	vmul.f32 v9, v29;
	v53 =	vld.idx.msk [tilespmem:v48+s14+$0x0], $0xffff;
	[tilespmem:s25+$0x30] =	vst v11  }
0x15b: {  	v61 =	vadd.s32 v3, v42;
	[tilespmem:s25+$0x110] =	vst v37;
	v35 =	vmul.f32 v57, v29;
	v11 =	vld.idx.msk [tilespmem:v56+s14+$0x0], $0xffff  }
0x15c: {  	[tilespmem:s25+$0xFFFFFFA0] =	vst v9;
	v49 =	vadd.s32 v1, v40;
	v63 =	vld.idx.msk [tilespmem:v59+s14+$0x0], $0xffff;
	v8 =	vmul.f32 v8, v26  }
0x15d: {  	v58 =	vadd.s32 v3, v46;
	v12 =	vld.idx.msk [tilespmem:v12+s14+$0x0], $0xffff;
	[tilespmem:s25+$0xFFFFFE20] =	vst v35;
	v50 =	vmul.f32 v36, v29  }
0x15e: {  	v10 =	vmul.f32 v10, v26;
	v51 =	vadd.s32 v5, v34;
	v52 =	vld.idx.msk [tilespmem:v47+s14+$0x0], $0xffff;
	[tilespmem:s25+$0xFFFFFF00] =	vst v8  }
0x15f: {  	v47 =	vmul.f32 v53, v29;
	v8 =	vadd.s32 v3, v44;
	[tilespmem:s25+$0x1A0] =	vst v50;
	v33 =	vld.idx.msk [tilespmem:v60+s14+$0x0], $0xffff  }
0x160: {  	[tilespmem:s25+$0x80] =	vst v10;
	v54 =	vadd.s32 v4, v41;
	v55 =	vld.idx.msk [tilespmem:v61+s14+$0x0], $0xffff;
	v11 =	vmul.f32 v11, v28  }
0x161: {  	v45 =	vld.idx.msk [tilespmem:v49+s14+$0x0], $0xffff;
	v57 =	vadd.s32 v4, v39;
	[tilespmem:s25+$0xFFFFFEA0] =	vst v47;
	v56 =	vmul.f32 v63, v29  }
0x162: {  	v59 =	vadd.s32 v2, v43;
	v12 =	vmul.f32 v12, v31;
	[tilespmem:s25+$0x40] =	vst v11;
	v11 =	vld.idx.msk [tilespmem:v58+s14+$0x0], $0xffff  }
0x163: {  	v60 =	vadd.s32 v4, v42;
	[tilespmem:s25+$0x120] =	vst v56;
	v36 =	vmul.f32 v52, v31;
	v9 =	vld.idx.msk [tilespmem:v51+s14+$0x0], $0xffff  }
0x164: {  	[tilespmem:s25+$0xFFFFFFB0] =	vst v12;
	v12 =	vadd.s32 v2, v40;
	v8 =	vld.idx.msk [tilespmem:v8+s14+$0x0], $0xffff;
	v33 =	vmul.f32 v33, v27  }
0x165: {  	v50 =	vadd.s32 v4, v46;
	v35 =	vld.idx.msk [tilespmem:v54+s14+$0x0], $0xffff;
	[tilespmem:s25+$0xFFFFFE30] =	vst v36;
	v10 =	vmul.f32 v55, v31  }
0x166: {  	v45 =	vmul.f32 v45, v27;
	v61 =	vadd.s32 v6, v34;
	v38 =	vld.idx.msk [tilespmem:v57+s14+$0x0], $0xffff;
	[tilespmem:s25+$0xFFFFFF10] =	vst v33  }
0x167: {  	v62 =	vadd.s32 v4, v44;
	[tilespmem:s25+$0x1B0] =	vst v10;
	v63 =	vld.idx.msk [tilespmem:v59+s14+$0x0], $0xffff;
	v11 =	vmul.f32 v11, v31  }
0x168: {  	[tilespmem:s25+$0x90] =	vst v45;
	v45 =	vadd.s32 $0x8, v32;
	v54 =	vadd.s32 v5, v41;
	v48 =	vld.idx.msk [tilespmem:v60+s14+$0x0], $0xffff;
	v9 =	vmul.f32 v9, v25  }
0x169: {  	v33 =	vshll.u32 v45, $0x7;
	v12 =	vld.idx.msk [tilespmem:v12+s14+$0x0], $0xffff;
	v8 =	vmul.f32 v8, v31;
	[tilespmem:s25+$0xFFFFFEB0] =	vst v11  }
0x16a: {  	v49 =	vadd.s32 v5, v39;
	v32 =	vor.u32 $0x80, v33;
	v55 =	vmul.f32 v35, v28;
	[tilespmem:s25+$0x50] =	vst v9;
	v50 =	vld.idx.msk [tilespmem:v50+s14+$0x0], $0xffff  }
0x16b: {  	v51 =	vadd.s32 v0, v32;
	[tilespmem:s25+$0x130] =	vst v8;
	v56 =	vld.idx.msk [tilespmem:v61+s14+$0x0], $0xffff  }
0x16c: {  	v57 =	vadd.s32 v3, v43;
	v8 =	vmul.f32 v38, v28;
	[tilespmem:s25+$0xFFFFFFC0] =	vst v55;
	v58 =	vld.idx.msk [tilespmem:v62+s14+$0x0], $0xffff  }
0x16d: {  	v59 =	vadd.s32 v3, v40;
	v47 =	vor.u32 $0x200, v33;
	v35 =	vor.u32 $0x300, v33;
	v10 =	vld.idx.msk [tilespmem:v54+s14+$0x0], $0xffff  }
0x16e: {  	[tilespmem:s25+$0xFFFFFE40] =	vst v8;
	v8 =	vmul.f32 v63, v29;
	v62 =	vmul.f32 v12, v29;
	v12 =	vadd.s32 v0, v47  }
0x16f: {  	v63 =	vadd.s32 v0, v35;
	v49 =	vld.idx.msk [tilespmem:v49+s14+$0x0], $0xffff  }
0x170: {  	v61 =	vadd.s32 v7, v34;
	v11 =	vld.idx.msk [tilespmem:v51+s14+$0x0], $0xffff;
	[tilespmem:s25+$0xFFFFFF20] =	vst v8  }
0x171: {  	v8 =	vadd.s32 v5, v44;
	[tilespmem:s25+$0xA0] =	vst v62;
	v53 =	vld.idx.msk [tilespmem:v57+s14+$0x0], $0xffff  }
0x172: {  	v34 =	vor.u32 $0x280, v33;
	v54 =	vadd.s32 v6, v41;
	v9 =	vld.idx.msk [tilespmem:v59+s14+$0x0], $0xffff;
	v52 =	vmul.f32 v56, v24  }
0x173: {  	v36 =	vor.u32 $0x380, v33;
	v55 =	vadd.s32 v0, v34;
	v60 =	vmul.f32 v58, v28;
	v12 =	vld.idx.msk [tilespmem:v12+s14+$0x0], $0xffff  }
0x174: {  	v56 =	vadd.s32 v0, v36;
	v10 =	vmul.f32 v10, v25;
	v51 =	vld.idx.msk [tilespmem:v63+s14+$0x0], $0xffff;
	[tilespmem:s25+$0x60] =	vst v52  }
0x175: {  	v38 =	vadd.s32 v4, v32;
	v58 =	vadd.s32 v5, v46;
	[tilespmem:s25+$0x140] =	vst v60;
	v57 =	vld.idx.msk [tilespmem:v61+s14+$0x0], $0xffff  }
0x176: {  	v37 =	vor.u32 $0x180, v33;
	v62 =	vadd.s32 v4, v43;
	v50 =	vmul.f32 v50, v28;
	[tilespmem:s25+$0xFFFFFFD0] =	vst v10;
	v8 =	vld.idx.msk [tilespmem:v8+s14+$0x0], $0xffff  }
0x177: {  	v52 =	vadd.s32 v0, v37;
	v11 =	vmul.f32 v11, v26;
	v61 =	vmul.f32 v53, v31;
	v53 =	vld.idx.msk [tilespmem:v54+s14+$0x0], $0xffff  }
0x178: {  	s26 =	simm.s32 $0xC600;
	v59 =	vadd.s32 v1, v35;
	[tilespmem:s25+$0xFFFFFEC0] =	vst v50;
	v50 =	vadd.s32 v4, v40;
	v54 =	vld.idx.msk [tilespmem:v55+s14+$0x0], $0xffff  }
0x179: {  	v55 =	vadd.s32 v1, v47;
	v9 =	vmul.f32 v9, v31;
	[tilespmem:s26+$0xFFFFFE80] =	vst v11;
	v11 =	vld.idx.msk [tilespmem:v56+s14+$0x0], $0xffff  }
0x17a: {  	v63 =	vadd.s32 v0, v33;
	v58 =	vld.idx.msk [tilespmem:v58+s14+$0x0], $0xffff;
	[tilespmem:s25+$0xFFFFFF30] =	vst v61;
	v12 =	vmul.f32 v12, v26  }
0x17b: {  	v56 =	vadd.s32 v6, v44;
	[tilespmem:s25+$0xB0] =	vst v9;
	v60 =	vld.idx.msk [tilespmem:v62+s14+$0x0], $0xffff;
	v8 =	vmul.f32 v8, v25  }
0x17c: {  	v61 =	vadd.s32 v5, v42;
	v52 =	vld.idx.msk [tilespmem:v52+s14+$0x0], $0xffff;
	[tilespmem:s26+$0x0] =	vst v12;
	v12 =	vmul.f32 v48, v28  }
0x17d: {  	v10 =	vadd.s32 v1, v34;
	v50 =	vld.idx.msk [tilespmem:v50+s14+$0x0], $0xffff;
	v57 =	vmul.f32 v57, v30;
	[tilespmem:s25+$0x150] =	vst v8  }
0x17e: {  	v48 =	vadd.s32 v1, v32;
	v55 =	vld.idx.msk [tilespmem:v55+s14+$0x0], $0xffff;
	v54 =	vmul.f32 v54, v26;
	[tilespmem:s25+$0x1C0] =	vst v12  }
0x17f: {  	v9 =	vadd.s32 v1, v36;
	v53 =	vmul.f32 v53, v24;
	[tilespmem:s25+$0x70] =	vst v57;
	v57 =	vld.idx.msk [tilespmem:v63+s14+$0x0], $0xffff  }
0x180: {  	v8 =	vadd.s32 v6, v39;
	v12 =	vmul.f32 v51, v26;
	v56 =	vld.idx.msk [tilespmem:v56+s14+$0x0], $0xffff;
	[tilespmem:s26+$0x80] =	vst v54  }
0x181: {  	v51 =	vadd.s32 v6, v46;
	v11 =	vmul.f32 v11, v26;
	[tilespmem:s25+$0xFFFFFFE0] =	vst v53;
	v53 =	vld.idx.msk [tilespmem:v61+s14+$0x0], $0xffff  }
0x182: {  	v49 =	vmul.f32 v49, v25;
	v54 =	vadd.s32 v1, v37;
	v10 =	vld.idx.msk [tilespmem:v10+s14+$0x0], $0xffff;
	[tilespmem:s26+$0x100] =	vst v12  }
0x183: {  	v62 =	vadd.s32 v2, v47;
	v12 =	vmul.f32 v58, v25;
	[tilespmem:s26+$0x180] =	vst v11;
	v48 =	vld.idx.msk [tilespmem:v48+s14+$0x0], $0xffff  }
0x184: {  	[tilespmem:s25+$0xFFFFFE50] =	vst v49;
	v49 =	vadd.s32 v2, v34;
	v52 =	vmul.f32 v52, v26;
	v9 =	vld.idx.msk [tilespmem:v9+s14+$0x0], $0xffff  }
0x185: {  	v11 =	vadd.s32 v7, v41;
	v58 =	vmul.f32 v55, v27;
	[tilespmem:s25+$0xFFFFFED0] =	vst v12;
	v8 =	vld.idx.msk [tilespmem:v8+s14+$0x0], $0xffff  }
0x186: {  	v39 =	vadd.s32 v7, v39;
	v41 =	vmul.f32 v50, v28;
	[tilespmem:s26+$0xFFFFFF80] =	vst v52;
	v51 =	vld.idx.msk [tilespmem:v51+s14+$0x0], $0xffff  }
0x187: {  	v50 =	vadd.s32 v1, v33;
	v52 =	vmul.f32 v56, v24;
	v54 =	vld.idx.msk [tilespmem:v54+s14+$0x0], $0xffff;
	[tilespmem:s26+$0x10] =	vst v58  }
0x188: {  	v12 =	vadd.s32 v2, v36;
	[tilespmem:s25+$0xC0] =	vst v41;
	v63 =	vld.idx.msk [tilespmem:v62+s14+$0x0], $0xffff;
	v10 =	vmul.f32 v10, v27  }
0x189: {  	v60 =	vmul.f32 v60, v28;
	[tilespmem:s25+$0x160] =	vst v52;
	v52 =	vld.idx.msk [tilespmem:v59+s14+$0x0], $0xffff;
	v59 =	vmul.f32 v57, v26  }
0x18a: {  	v11 =	vld.idx.msk [tilespmem:v11+s14+$0x0], $0xffff;
	v9 =	vmul.f32 v9, v27;
	[tilespmem:s26+$0x90] =	vst v10;
	v10 =	vadd.s32 v7, v46  }
0x18b: {  	v46 =	vadd.s32 v2, v37;
	v8 =	vmul.f32 v8, v24;
	[tilespmem:s26+$0xFFFFFE00] =	vst v59;
	v49 =	vld.idx.msk [tilespmem:v49+s14+$0x0], $0xffff  }
0x18c: {  	v57 =	vadd.s32 v3, v47;
	v61 =	vmul.f32 v51, v24;
	[tilespmem:s26+$0x190] =	vst v9;
	v50 =	vld.idx.msk [tilespmem:v50+s14+$0x0], $0xffff  }
0x18d: {  	v58 =	vadd.s32 v6, v42;
	v62 =	vmul.f32 v54, v27;
	v12 =	vld.idx.msk [tilespmem:v12+s14+$0x0], $0xffff;
	[tilespmem:s25+$0xFFFFFE60] =	vst v8  }
0x18e: {  	v8 =	vadd.s32 v5, v43;
	v63 =	vmul.f32 v63, v29;
	[tilespmem:s25+$0xFFFFFEE0] =	vst v61;
	v56 =	vld.idx.msk [tilespmem:v39+s14+$0x0], $0xffff;
	v39 =	vor.u32 $0x100, v33  }
0x18f: {  	v61 =	vmul.f32 v53, v25;
	[tilespmem:s26+$0xFFFFFF90] =	vst v62;
	v10 =	vld.idx.msk [tilespmem:v10+s14+$0x0], $0xffff;
	v59 =	vadd.s32 v0, v39  }
0x190: {  	v55 =	vadd.s32 v2, v35;
	v54 =	vadd.s32 v2, v33;
	v46 =	vld.idx.msk [tilespmem:v46+s14+$0x0], $0xffff;
	[tilespmem:s26+$0x20] =	vst v63  }
0x191: {  	v62 =	vmul.f32 v11, v30;
	v11 =	vadd.s32 v7, v44;
	[tilespmem:s25+$0x1D0] =	vst v61;
	v57 =	vld.idx.msk [tilespmem:v57+s14+$0x0], $0xffff  }
0x192: {  	[tilespmem:s25+$0xFFFFFF40] =	vst v60;
	v9 =	vld.idx.msk [tilespmem:v58+s14+$0x0], $0xffff;
	v63 =	vmul.f32 v50, v27;
	v50 =	vadd.s32 v5, v40  }
0x193: {  	v51 =	vadd.s32 v3, v37;
	[tilespmem:s25+$0xFFFFFFF0] =	vst v62;
	v8 =	vld.idx.msk [tilespmem:v8+s14+$0x0], $0xffff;
	v60 =	vmul.f32 v56, v30  }
0x194: {  	v61 =	vadd.s32 v4, v47;
	[tilespmem:s26+$0xFFFFFE10] =	vst v63;
	v44 =	vld.idx.msk [tilespmem:v59+s14+$0x0], $0xffff;
	v10 =	vmul.f32 v10, v30  }
0x195: {  	v41 =	vadd.s32 v7, v43;
	v54 =	vld.idx.msk [tilespmem:v54+s14+$0x0], $0xffff;
	v46 =	vmul.f32 v46, v29;
	[tilespmem:s25+$0xFFFFFE70] =	vst v60  }
0x196: {  	v63 =	vadd.s32 v3, v36;
	v62 =	vmul.f32 v57, v31;
	[tilespmem:s25+$0xFFFFFEF0] =	vst v10;
	v10 =	vld.idx.msk [tilespmem:v11+s14+$0x0], $0xffff  }
0x197: {  	v42 =	vadd.s32 v7, v42;
	v60 =	vmul.f32 v52, v27;
	[tilespmem:s26+$0xFFFFFFA0] =	vst v46;
	v46 =	vld.idx.msk [tilespmem:v50+s14+$0x0], $0xffff  }
0x198: {  	v58 =	vadd.s32 v6, v43;
	v12 =	vmul.f32 v12, v29;
	v51 =	vld.idx.msk [tilespmem:v51+s14+$0x0], $0xffff;
	[tilespmem:s26+$0x30] =	vst v62  }
0x199: {  	v9 =	vmul.f32 v9, v24;
	v50 =	vadd.s32 v2, v32;
	[tilespmem:s26+$0x110] =	vst v60;
	v53 =	vld.idx.msk [tilespmem:v61+s14+$0x0], $0xffff  }
0x19a: {  	[tilespmem:s26+$0x1A0] =	vst v12;
	v52 =	vadd.s32 v3, v33;
	v8 =	vmul.f32 v8, v25;
	v55 =	vld.idx.msk [tilespmem:v55+s14+$0x0], $0xffff  }
0x19b: {  	v59 =	vadd.s32 v5, v47;
	[tilespmem:s25+$0x1E0] =	vst v9;
	v61 =	vmul.f32 v48, v27;
	v60 =	vld.idx.msk [tilespmem:v63+s14+$0x0], $0xffff  }
0x19c: {  	v62 =	vadd.s32 v1, v39;
	v42 =	vld.idx.msk [tilespmem:v42+s14+$0x0], $0xffff;
	v12 =	vmul.f32 v54, v29;
	[tilespmem:s25+$0xFFFFFF50] =	vst v8  }
0x19d: {  	v63 =	vadd.s32 v6, v40;
	v57 =	vmul.f32 v44, v26;
	[tilespmem:s26+$0xFFFFFE90] =	vst v61;
	v11 =	vld.idx.msk [tilespmem:v58+s14+$0x0], $0xffff  }
0x19e: {  	v9 =	vadd.s32 v3, v35;
	[tilespmem:s26+$0xFFFFFE20] =	vst v12;
	v12 =	vld.idx.msk [tilespmem:v50+s14+$0x0], $0xffff;
	v46 =	vmul.f32 v46, v25  }
0x19f: {  	v40 =	vadd.s32 v7, v40;
	[tilespmem:s26+$0xFFFFFF00] =	vst v57;
	v50 =	vld.idx.msk [tilespmem:v52+s14+$0x0], $0xffff;
	v51 =	vmul.f32 v51, v31  }
0x1a0: {  	v44 =	vmul.f32 v10, v30;
	v52 =	vadd.s32 v4, v36;
	v61 =	vmul.f32 v53, v28;
	[tilespmem:s25+$0xD0] =	vst v46  }
0x1a1: {  	v10 =	vld.idx.msk [tilespmem:v62+s14+$0x0], $0xffff;
	v62 =	vmul.f32 v55, v29;
	v53 =	vadd.s32 v4, v37;
	[tilespmem:s26+$0xFFFFFFB0] =	vst v51  }
0x1a2: {  	v8 =	vld.idx.msk [tilespmem:v63+s14+$0x0], $0xffff;
	v63 =	vmul.f32 v60, v31;
	v60 =	vadd.s32 v4, v33;
	[tilespmem:s26+$0x40] =	vst v61  }
0x1a3: {  	v42 =	vmul.f32 v42, v30;
	[tilespmem:s26+$0x120] =	vst v62;
	v61 =	vadd.s32 v3, v32;
	v43 =	vld.idx.msk [tilespmem:v59+s14+$0x0], $0xffff  }
0x1a4: {  	v62 =	vadd.s32 v2, v39;
	v9 =	vld.idx.msk [tilespmem:v9+s14+$0x0], $0xffff;
	[tilespmem:s26+$0x1B0] =	vst v63;
	v50 =	vmul.f32 v50, v31  }
0x1a5: {  	v48 =	vadd.s32 v6, v37;
	[tilespmem:s25+$0x1F0] =	vst v42;
	v12 =	vmul.f32 v12, v29;
	v46 =	vld.idx.msk [tilespmem:v52+s14+$0x0], $0xffff  }
0x1a6: {  	v10 =	vmul.f32 v10, v27;
	v54 =	vld.idx.msk [tilespmem:v53+s14+$0x0], $0xffff;
	[tilespmem:s26+$0xFFFFFE30] =	vst v50;
	v50 =	vadd.s32 v6, v47  }
0x1a7: {  	v58 =	vadd.s32 v4, v35;
	[tilespmem:s26+$0xFFFFFEA0] =	vst v12;
	v8 =	vmul.f32 v8, v24;
	v52 =	vld.idx.msk [tilespmem:v60+s14+$0x0], $0xffff  }
0x1a8: {  	v57 =	vadd.s32 v3, v34;
	[tilespmem:s26+$0xFFFFFF10] =	vst v10;
	v42 =	vld.idx.msk [tilespmem:v61+s14+$0x0], $0xffff;
	v63 =	vmul.f32 v43, v25  }
0x1a9: {  	v55 =	vadd.s32 v5, v33;
	v11 =	vmul.f32 v11, v24;
	v59 =	vld.idx.msk [tilespmem:v62+s14+$0x0], $0xffff;
	[tilespmem:s25+$0xE0] =	vst v8  }
0x1aa: {  	v53 =	vadd.s32 v5, v37;
	v60 =	vmul.f32 v9, v31;
	v43 =	vld.idx.msk [tilespmem:v40+s14+$0x0], $0xffff;
	[tilespmem:s26+$0x50] =	vst v63  }
0x1ab: {  	s28 =	simm.s32 $0x8;
	v51 =	vadd.s32 v5, v35;
	[tilespmem:s25+$0xFFFFFF60] =	vst v11;
	v47 =	vadd.s32 v7, v47;
	v40 =	vadd.s32 $0x8, v45;
	v56 =	vld.idx.msk [tilespmem:v50+s14+$0x0], $0xffff  }
.LBB2_9:
0x1ac: {  	v50 =	vshll.u32 v40, $0x7;
	s28 =	sadd.s32 $0x8, s28;
	v8 =	vadd.s32 v3, v39;
	v9 =	vmul.f32 v54, v28;
	[tilespmem:s26+$0x130] =	vst v60;
	v10 =	vld.idx.msk [tilespmem:v41+s14+$0x0], $0xffff  }
0x1ad: {  	v11 =	vmul.f32 v52, v28;
	v41 =	vor.u32 $0x80, v50;
	v45 =	vor.u32 $0x380, v50;
	p0 =	slt.u32 s28, $0x78;
	v12 =	vld.idx.msk [tilespmem:v58+s14+$0x0], $0xffff;
	[tilespmem:s25+$0x170] =	vst v44  }
0x1ae: {  	v52 =	vor.u32 $0x180, v50;
	v58 =	vmul.f32 v42, v31;
	v54 =	vadd.s32 v0, v41;
	[tilespmem:s26+$0xFFFFFFC0] =	vst v9  }
0x1af: {  	v44 =	vor.u32 $0x100, v50;
	v42 =	vor.u32 $0x200, v50;
	v9 =	vmul.f32 v59, v29;
	[tilespmem:s26+$0xFFFFFE40] =	vst v11;
	v11 =	vld.idx.msk [tilespmem:v53+s14+$0x0], $0xffff  }
0x1b0: {  	v53 =	vld.idx.msk [tilespmem:v55+s14+$0x0], $0xffff;
	[tilespmem:s26+$0xFFFFFEB0] =	vst v58;
	v55 =	vmul.f32 v49, v29;
	v58 =	vmul.f32 v43, v30  }
0x1b1: {  	v59 =	vadd.s32 v0, v42;
	v43 =	vor.u32 $0x280, v50;
	v60 =	vld.idx.msk [tilespmem:v38+s14+$0x0], $0xffff;
	[tilespmem:s26+$0xFFFFFF20] =	vst v9;
	v9 =	vmul.f32 v56, v24  }
0x1b2: {  	v49 =	vor.u32 $0x300, v50;
	v56 =	vadd.s32 v0, v43;
	v10 =	vmul.f32 v10, v30;
	v8 =	vld.idx.msk [tilespmem:v8+s14+$0x0], $0xffff;
	[tilespmem:s26+$0xA0] =	vst v55  }
0x1b3: {  	v55 =	vadd.s32 v0, v49;
	v54 =	vld.idx.msk [tilespmem:v54+s14+$0x0], $0xffff;
	[tilespmem:s26+$0x60] =	vst v9;
	v9 =	vmul.f32 v12, v28  }
0x1b4: {  	v38 =	vadd.s32 v4, v41;
	v12 =	vadd.s32 v0, v45;
	v57 =	vld.idx.msk [tilespmem:v57+s14+$0x0], $0xffff;
	[tilespmem:s25+$0xFFFFFF70] =	vst v10  }
0x1b5: {  	v10 =	vmul.f32 v11, v25;
	v11 =	vld.idx.msk [tilespmem:v47+s14+$0x0], $0xffff;
	[tilespmem:s25+$0xF0] =	vst v58;
	s25 =	smov.u32 s26  }
0x1b6: {  	v53 =	vmul.f32 v53, v25;
	v58 =	vadd.s32 v5, v32;
	v47 =	vld.idx.msk [tilespmem:v59+s14+$0x0], $0xffff;
	[tilespmem:s26+$0x140] =	vst v9  }
0x1b7: {  	v9 =	vadd.s32 v0, v52;
	v59 =	vmul.f32 v60, v28;
	[tilespmem:s26+$0xFFFFFFD0] =	vst v10;
	v10 =	vld.idx.msk [tilespmem:v51+s14+$0x0], $0xffff  }
0x1b8: {  	v8 =	vmul.f32 v8, v31;
	v51 =	vadd.s32 v4, v39;
	[tilespmem:s26+$0xFFFFFE50] =	vst v53;
	v48 =	vld.idx.msk [tilespmem:v48+s14+$0x0], $0xffff  }
0x1b9: {  	v53 =	vmul.f32 v54, v26;
	s26 =	sadd.s32 $0x400, s26;
	v54 =	vld.idx.msk [tilespmem:v56+s14+$0x0], $0xffff;
	[tilespmem:s25+$0xFFFFFEC0] =	vst v59;
	v56 =	vadd.s32 v4, v34  }
0x1ba: {  	v59 =	vadd.s32 v1, v42;
	v55 =	vld.idx.msk [tilespmem:v55+s14+$0x0], $0xffff;
	[tilespmem:s25+$0xFFFFFF30] =	vst v8;
	v8 =	vmul.f32 v57, v31  }
0x1bb: {  	v57 =	vadd.s32 v6, v35;
	[tilespmem:s26+$0xFFFFFE80] =	vst v53;
	v53 =	vadd.s32 v1, v43;
	v12 =	vld.idx.msk [tilespmem:v12+s14+$0x0], $0xffff  }
0x1bc: {  	v60 =	vadd.s32 v1, v49;
	v47 =	vmul.f32 v47, v26;
	v58 =	vld.idx.msk [tilespmem:v58+s14+$0x0], $0xffff;
	[tilespmem:s25+$0xB0] =	vst v8  }
0x1bd: {  	v61 =	vadd.s32 v5, v36;
	v8 =	vadd.s32 v1, v45;
	v10 =	vmul.f32 v10, v25;
	v51 =	vld.idx.msk [tilespmem:v51+s14+$0x0], $0xffff  }
0x1be: {  	v46 =	vmul.f32 v46, v28;
	v62 =	vadd.s32 v0, v50;
	v9 =	vld.idx.msk [tilespmem:v9+s14+$0x0], $0xffff;
	[tilespmem:s26+$0x0] =	vst v47  }
0x1bf: {  	v47 =	vadd.s32 v1, v41;
	v54 =	vmul.f32 v54, v26;
	v59 =	vld.idx.msk [tilespmem:v59+s14+$0x0], $0xffff;
	[tilespmem:s25+$0x150] =	vst v10  }
0x1c0: {  	v11 =	vmul.f32 v11, v30;
	v10 =	vadd.s32 v6, v33;
	v57 =	vld.idx.msk [tilespmem:v57+s14+$0x0], $0xffff;
	[tilespmem:s25+$0x1C0] =	vst v46  }
0x1c1: {  	v46 =	vmul.f32 v55, v26;
	[tilespmem:s26+$0x80] =	vst v54;
	v54 =	vadd.s32 v6, v32;
	v55 =	vld.idx.msk [tilespmem:v56+s14+$0x0], $0xffff  }
0x1c2: {  	v12 =	vmul.f32 v12, v26;
	v56 =	vadd.s32 v1, v52;
	v53 =	vld.idx.msk [tilespmem:v53+s14+$0x0], $0xffff;
	[tilespmem:s25+$0x70] =	vst v11  }
0x1c3: {  	v11 =	vld.idx.msk [tilespmem:v62+s14+$0x0], $0xffff;
	v62 =	vadd.s32 v2, v42;
	[tilespmem:s26+$0x100] =	vst v46;
	v46 =	vmul.f32 v58, v25  }
0x1c4: {  	v9 =	vmul.f32 v9, v26;
	v58 =	vld.idx.msk [tilespmem:v47+s14+$0x0], $0xffff;
	v47 =	vadd.s32 v2, v43;
	[tilespmem:s26+$0x180] =	vst v12  }
0x1c5: {  	v12 =	vmul.f32 v59, v27;
	v59 =	vadd.s32 v2, v49;
	v10 =	vld.idx.msk [tilespmem:v10+s14+$0x0], $0xffff;
	[tilespmem:s25+$0xFFFFFED0] =	vst v46  }
0x1c6: {  	[tilespmem:s26+$0xFFFFFF80] =	vst v9;
	v9 =	vadd.s32 v2, v45;
	v46 =	vld.idx.msk [tilespmem:v54+s14+$0x0], $0xffff;
	v54 =	vmul.f32 v57, v24  }
0x1c7: {  	v55 =	vmul.f32 v55, v28;
	v56 =	vld.idx.msk [tilespmem:v56+s14+$0x0], $0xffff;
	[tilespmem:s26+$0x10] =	vst v12;
	v12 =	vadd.s32 v7, v37;
	v37 =	vmov v52  }
0x1c8: {  	v52 =	vadd.s32 v1, v50;
	v53 =	vmul.f32 v53, v27;
	v57 =	vld.idx.msk [tilespmem:v62+s14+$0x0], $0xffff;
	[tilespmem:s25+$0x160] =	vst v54  }
0x1c9: {  	v48 =	vmul.f32 v48, v24;
	v54 =	vld.idx.msk [tilespmem:v60+s14+$0x0], $0xffff;
	v60 =	vadd.s32 v7, v33;
	[tilespmem:s25+$0xC0] =	vst v55;
	v33 =	vmov v50  }
0x1ca: {  	v11 =	vmul.f32 v11, v26;
	v50 =	vadd.s32 v7, v32;
	v32 =	vmov v41;
	[tilespmem:s26+$0x90] =	vst v53;
	v8 =	vld.idx.msk [tilespmem:v8+s14+$0x0], $0xffff  }
0x1cb: {  	v53 =	vadd.s32 v2, v37;
	v10 =	vmul.f32 v10, v24;
	[tilespmem:s25+$0xFFFFFFE0] =	vst v48;
	v48 =	vld.idx.msk [tilespmem:v61+s14+$0x0], $0xffff  }
0x1cc: {  	v41 =	vmul.f32 v46, v24;
	[tilespmem:s26+$0xFFFFFE00] =	vst v11;
	v11 =	vadd.s32 v3, v42;
	v12 =	vld.idx.msk [tilespmem:v12+s14+$0x0], $0xffff  }
0x1cd: {  	v46 =	vld.idx.msk [tilespmem:v52+s14+$0x0], $0xffff;
	v52 =	vmul.f32 v56, v27;
	[tilespmem:s25+$0xFFFFFE60] =	vst v10;
	v10 =	vadd.s32 v5, v39  }
0x1ce: {  	v55 =	vmul.f32 v57, v29;
	v56 =	vld.idx.msk [tilespmem:v60+s14+$0x0], $0xffff;
	[tilespmem:s25+$0xFFFFFEE0] =	vst v41;
	v41 =	vadd.s32 v7, v39  }
0x1cf: {  	v51 =	vmul.f32 v51, v28;
	[tilespmem:s26+$0xFFFFFF90] =	vst v52;
	v50 =	vld.idx.msk [tilespmem:v50+s14+$0x0], $0xffff;
	v52 =	vadd.s32 v6, v36  }
0x1d0: {  	v57 =	vadd.s32 v0, v44;
	v8 =	vmul.f32 v8, v27;
	v53 =	vld.idx.msk [tilespmem:v53+s14+$0x0], $0xffff;
	[tilespmem:s26+$0x20] =	vst v55  }
0x1d1: {  	v55 =	vadd.s32 v2, v33;
	v48 =	vmul.f32 v48, v25;
	v11 =	vld.idx.msk [tilespmem:v11+s14+$0x0], $0xffff;
	[tilespmem:s25+$0xFFFFFF40] =	vst v51  }
0x1d2: {  	[tilespmem:s26+$0x190] =	vst v8;
	v8 =	vld.idx.msk [tilespmem:v10+s14+$0x0], $0xffff;
	v10 =	vmul.f32 v12, v30;
	v12 =	vadd.s32 v7, v35;
	v35 =	vmov v49  }
0x1d3: {  	v46 =	vmul.f32 v46, v27;
	v49 =	vadd.s32 v5, v34;
	v9 =	vld.idx.msk [tilespmem:v9+s14+$0x0], $0xffff;
	[tilespmem:s25+$0x1D0] =	vst v48  }
0x1d4: {  	v48 =	vadd.s32 v3, v37;
	v51 =	vmul.f32 v56, v30;
	[tilespmem:s25+$0xFFFFFFF0] =	vst v10;
	v10 =	vld.idx.msk [tilespmem:v52+s14+$0x0], $0xffff  }
0x1d5: {  	v52 =	vadd.s32 v4, v42;
	v50 =	vmul.f32 v50, v30;
	[tilespmem:s26+$0xFFFFFE10] =	vst v46;
	v46 =	vld.idx.msk [tilespmem:v57+s14+$0x0], $0xffff  }
0x1d6: {  	v53 =	vmul.f32 v53, v29;
	v55 =	vld.idx.msk [tilespmem:v55+s14+$0x0], $0xffff;
	[tilespmem:s25+$0xFFFFFE70] =	vst v51;
	v51 =	vadd.s32 v7, v36;
	v36 =	vmov v45  }
0x1d7: {  	v11 =	vmul.f32 v11, v31;
	v45 =	vadd.s32 v3, v36;
	[tilespmem:s25+$0xFFFFFEF0] =	vst v50;
	v12 =	vld.idx.msk [tilespmem:v12+s14+$0x0], $0xffff  }
0x1d8: {  	v50 =	vmul.f32 v54, v27;
	v8 =	vmul.f32 v8, v25;
	[tilespmem:s26+$0xFFFFFFA0] =	vst v53;
	v49 =	vld.idx.msk [tilespmem:v49+s14+$0x0], $0xffff  }
0x1d9: {  	v53 =	vadd.s32 v2, v32;
	v9 =	vmul.f32 v9, v29;
	v48 =	vld.idx.msk [tilespmem:v48+s14+$0x0], $0xffff;
	[tilespmem:s26+$0x30] =	vst v11  }
0x1da: {  	v11 =	vadd.s32 v3, v33;
	v10 =	vmul.f32 v10, v24;
	v52 =	vld.idx.msk [tilespmem:v52+s14+$0x0], $0xffff;
	[tilespmem:s26+$0x110] =	vst v50  }
0x1db: {  	v54 =	vadd.s32 v1, v44;
	v50 =	vmul.f32 v58, v27;
	v56 =	vld.idx.msk [tilespmem:v59+s14+$0x0], $0xffff;
	[tilespmem:s26+$0x1A0] =	vst v9  }
0x1dc: {  	v9 =	vmul.f32 v55, v29;
	v55 =	vadd.s32 v6, v34;
	v45 =	vld.idx.msk [tilespmem:v45+s14+$0x0], $0xffff;
	[tilespmem:s25+$0x1E0] =	vst v10  }
0x1dd: {  	v10 =	vmul.f32 v46, v26;
	v46 =	vadd.s32 v6, v39;
	v39 =	vmov v44;
	[tilespmem:s26+$0xFFFFFE90] =	vst v50;
	v50 =	vld.idx.msk [tilespmem:v51+s14+$0x0], $0xffff  }
0x1de: {  	v51 =	vadd.s32 v5, v42;
	v49 =	vmul.f32 v49, v25;
	[tilespmem:s26+$0xFFFFFE20] =	vst v9;
	v9 =	vld.idx.msk [tilespmem:v53+s14+$0x0], $0xffff  }
0x1df: {  	v44 =	vmul.f32 v12, v30;
	v11 =	vld.idx.msk [tilespmem:v11+s14+$0x0], $0xffff;
	[tilespmem:s26+$0xFFFFFF00] =	vst v10;
	v10 =	vadd.s32 v3, v35  }
0x1e0: {  	v53 =	vadd.s32 v4, v36;
	v52 =	vmul.f32 v52, v28;
	v12 =	vld.idx.msk [tilespmem:v54+s14+$0x0], $0xffff;
	[tilespmem:s25+$0xD0] =	vst v49  }
0x1e1: {  	v49 =	vmul.f32 v56, v29;
	[tilespmem:s25+$0xFFFFFF50] =	vst v8;
	v8 =	vld.idx.msk [tilespmem:v55+s14+$0x0], $0xffff;
	v55 =	vadd.s32 v7, v34;
	v34 =	vmov v43  }
0x1e2: {  	v43 =	vadd.s32 v4, v37;
	v45 =	vmul.f32 v45, v31;
	[tilespmem:s26+$0x40] =	vst v52;
	v56 =	vld.idx.msk [tilespmem:v46+s14+$0x0], $0xffff  }
0x1e3: {  	v52 =	vadd.s32 v4, v33;
	v51 =	vld.idx.msk [tilespmem:v51+s14+$0x0], $0xffff;
	[tilespmem:s26+$0x120] =	vst v49;
	v49 =	vmul.f32 v50, v30  }
0x1e4: {  	v48 =	vmul.f32 v48, v31;
	v50 =	vadd.s32 v3, v32;
	v10 =	vld.idx.msk [tilespmem:v10+s14+$0x0], $0xffff;
	[tilespmem:s26+$0x1B0] =	vst v45  }
0x1e5: {  	v11 =	vmul.f32 v11, v31;
	v45 =	vadd.s32 v2, v39;
	v46 =	vld.idx.msk [tilespmem:v53+s14+$0x0], $0xffff;
	[tilespmem:s25+$0x1F0] =	vst v49  }
0x1e6: {  	v9 =	vmul.f32 v9, v29;
	[tilespmem:s26+$0xFFFFFFB0] =	vst v48;
	v48 =	vadd.s32 v6, v37;
	v49 =	vld.idx.msk [tilespmem:v47+s14+$0x0], $0xffff  }
0x1e7: {  	[tilespmem:s26+$0xFFFFFE30] =	vst v11;
	v11 =	vmul.f32 v12, v27;
	v54 =	vld.idx.msk [tilespmem:v43+s14+$0x0], $0xffff;
	v12 =	vadd.s32 v6, v42  }
.Ltmp6:
0x1e8: {  	v47 =	vadd.s32 v7, v42;
	v8 =	vmul.f32 v8, v24;
	v52 =	vld.idx.msk [tilespmem:v52+s14+$0x0], $0xffff;
	[tilespmem:s26+$0xFFFFFEA0] =	vst v9;
	(pc) =	sbr.rel @p0 .LBB2_9-.Ltmp6, $4  }
0x1e9: {  	v58 =	vadd.s32 v4, v35;
	v9 =	vmul.f32 v51, v25;
	v42 =	vld.idx.msk [tilespmem:v50+s14+$0x0], $0xffff;
	[tilespmem:s26+$0xFFFFFF10] =	vst v11  }
0x1ea: {  	v51 =	vadd.s32 v5, v35;
	v11 =	vmul.f32 v56, v24;
	v59 =	vld.idx.msk [tilespmem:v45+s14+$0x0], $0xffff;
	[tilespmem:s25+$0xE0] =	vst v8  }
0x1eb: {  	v53 =	vadd.s32 v5, v37;
	v60 =	vmul.f32 v10, v31;
	[tilespmem:s26+$0x50] =	vst v9;
	v43 =	vld.idx.msk [tilespmem:v55+s14+$0x0], $0xffff  }
0x1ec: {  	v40 =	vadd.s32 $0x8, v40;
	v57 =	vadd.s32 v3, v34;
	v55 =	vadd.s32 v5, v33;
	v56 =	vld.idx.msk [tilespmem:v12+s14+$0x0], $0xffff;
	[tilespmem:s25+$0xFFFFFF60] =	vst v11  }
0x1ed: {  	v8 =	vadd.s32 v3, v39;
	_ =	sdelay $0x1  }
0x1ee: {  	v9 =	vmul.f32 v59, v29  }
0x1ef: {  	v10 =	vmul.f32 v49, v29  }
0x1f0: {  	[tilespmem:s26+$0xFFFFFF20] =	vst v9  }
0x1f1: {  	[tilespmem:s26+$0xA0] =	vst v10;
	v8 =	vld.idx.msk [tilespmem:v8+s14+$0x0], $0xffff  }
0x1f2: {  	v29 =	vld.idx.msk [tilespmem:v57+s14+$0x0], $0xffff  }
0x1f3: {  	v40 =	vmul.f32 v42, v31  }
0x1f4: {  	v11 =	vadd.s32 v4, v39  }
0x1f5: {  	v42 =	vadd.s32 v4, v34;
	[tilespmem:s26+$0xFFFFFEB0] =	vst v40  }
0x1f6: {  	[tilespmem:s26+$0x130] =	vst v60;
	v12 =	vld.idx.msk [tilespmem:v38+s14+$0x0], $0xffff;
	v8 =	vmul.f32 v8, v31  }
0x1f7: {  	[tilespmem:s25+$0x170] =	vst v44;
	v9 =	vmul.f32 v29, v31  }
0x1f8: {  	v26 =	vmul.f32 v54, v28;
	v27 =	vld.idx.msk [tilespmem:v58+s14+$0x0], $0xffff;
	[tilespmem:s26+$0xFFFFFF30] =	vst v8  }
0x1f9: {  	v45 =	vadd.s32 v5, v32;
	[tilespmem:s26+$0xB0] =	vst v9;
	v8 =	vmul.f32 v52, v28;
	v49 =	vld.idx.msk [tilespmem:v11+s14+$0x0], $0xffff  }
0x1fa: {  	[tilespmem:s26+$0xFFFFFFC0] =	vst v26;
	v50 =	vmul.f32 v56, v24;
	v10 =	vld.idx.msk [tilespmem:v42+s14+$0x0], $0xffff;
	v52 =	vadd.s32 v5, v36  }
0x1fb: {  	v54 =	vld.idx.msk [tilespmem:v41+s14+$0x0], $0xffff;
	[tilespmem:s26+$0xFFFFFE40] =	vst v8;
	v8 =	vmul.f32 v12, v28  }
0x1fc: {  	v57 =	vadd.s32 v5, v39;
	v56 =	vmul.f32 v46, v28;
	[tilespmem:s26+$0x60] =	vst v50;
	v12 =	vld.idx.msk [tilespmem:v53+s14+$0x0], $0xffff  }
0x1fd: {  	v27 =	vmul.f32 v27, v28;
	v40 =	vld.idx.msk [tilespmem:v55+s14+$0x0], $0xffff;
	[tilespmem:s26+$0xFFFFFEC0] =	vst v8;
	v8 =	vadd.s32 v5, v34  }
0x1fe: {  	[tilespmem:s26+$0x1C0] =	vst v56;
	v29 =	vld.idx.msk [tilespmem:v45+s14+$0x0], $0xffff;
	v9 =	vmul.f32 v49, v28  }
0x1ff: {  	[tilespmem:s26+$0x140] =	vst v27;
	v10 =	vmul.f32 v10, v28;
	v11 =	vld.idx.msk [tilespmem:v52+s14+$0x0], $0xffff  }
0x200: {  	v59 =	vadd.s32 v6, v33;
	v58 =	vmul.f32 v54, v30;
	v27 =	vld.idx.msk [tilespmem:v51+s14+$0x0], $0xffff;
	[tilespmem:s26+$0xFFFFFF40] =	vst v9  }
0x201: {  	[tilespmem:s26+$0xC0] =	vst v10;
	v60 =	vmul.f32 v12, v25;
	v12 =	vadd.s32 v6, v32;
	v61 =	vld.idx.msk [tilespmem:v57+s14+$0x0], $0xffff  }
0x202: {  	v63 =	vadd.s32 v6, v36;
	[tilespmem:s25+$0xFFFFFF70] =	vst v58;
	v62 =	vmul.f32 v40, v25;
	v8 =	vld.idx.msk [tilespmem:v8+s14+$0x0], $0xffff  }
0x203: {  	v54 =	vld.idx.msk [tilespmem:v47+s14+$0x0], $0xffff;
	v40 =	vadd.s32 v6, v35;
	[tilespmem:s26+$0xFFFFFFD0] =	vst v60;
	v29 =	vmul.f32 v29, v25  }
0x204: {  	v42 =	vadd.s32 v6, v39;
	[tilespmem:s26+$0xFFFFFE50] =	vst v62;
	v41 =	vld.idx.msk [tilespmem:v48+s14+$0x0], $0xffff;
	v11 =	vmul.f32 v11, v25  }
0x205: {  	v44 =	vadd.s32 v6, v34;
	v27 =	vmul.f32 v27, v25;
	v28 =	vld.idx.msk [tilespmem:v59+s14+$0x0], $0xffff;
	[tilespmem:s26+$0xFFFFFED0] =	vst v29  }
0x206: {  	[tilespmem:s26+$0x1D0] =	vst v11;
	v12 =	vld.idx.msk [tilespmem:v12+s14+$0x0], $0xffff;
	v10 =	vmul.f32 v61, v25  }
0x207: {  	[tilespmem:s26+$0x150] =	vst v27;
	v45 =	vadd.s32 v7, v37;
	v46 =	vld.idx.msk [tilespmem:v63+s14+$0x0], $0xffff;
	v8 =	vmul.f32 v8, v25  }
0x208: {  	v49 =	vadd.s32 v7, v33;
	v60 =	vmul.f32 v54, v30;
	v9 =	vld.idx.msk [tilespmem:v40+s14+$0x0], $0xffff;
	[tilespmem:s26+$0xFFFFFF50] =	vst v10  }
0x209: {  	v51 =	vadd.s32 v7, v32;
	v50 =	vmul.f32 v41, v24;
	[tilespmem:s26+$0xD0] =	vst v8;
	v8 =	vld.idx.msk [tilespmem:v42+s14+$0x0], $0xffff  }
0x20a: {  	v53 =	vadd.s32 v7, v36;
	[tilespmem:s26+$0x70] =	vst v60;
	v52 =	vmul.f32 v28, v24;
	v29 =	vld.idx.msk [tilespmem:v44+s14+$0x0], $0xffff  }
0x20b: {  	[tilespmem:s26+$0xFFFFFFE0] =	vst v50;
	v55 =	vmul.f32 v12, v24;
	v12 =	vadd.s32 v7, v35  }
0x20c: {  	v56 =	vadd.s32 v7, v39;
	v11 =	vld.idx.msk [tilespmem:v45+s14+$0x0], $0xffff;
	[tilespmem:s26+$0xFFFFFE60] =	vst v52;
	v27 =	vmul.f32 v46, v24  }
0x20d: {  	v57 =	vadd.s32 v7, v34;
	v9 =	vmul.f32 v9, v24;
	v31 =	vld.idx.msk [tilespmem:v49+s14+$0x0], $0xffff;
	[tilespmem:s26+$0xFFFFFEE0] =	vst v55  }
0x20e: {  	[tilespmem:s26+$0x1E0] =	vst v27;
	v26 =	vld.idx.msk [tilespmem:v51+s14+$0x0], $0xffff;
	v8 =	vmul.f32 v8, v24  }
0x20f: {  	[tilespmem:s26+$0x160] =	vst v9;
	v58 =	vld.idx.msk [tilespmem:v53+s14+$0x0], $0xffff;
	v59 =	vmul.f32 v29, v24  }
0x210: {  	v48 =	vmul.f32 v43, v30;
	v12 =	vld.idx.msk [tilespmem:v12+s14+$0x0], $0xffff;
	[tilespmem:s26+$0xFFFFFF60] =	vst v8  }
0x211: {  	v8 =	vmul.f32 v11, v30;
	[tilespmem:s26+$0xE0] =	vst v59;
	v61 =	vld.idx.msk [tilespmem:v56+s14+$0x0], $0xffff  }
0x212: {  	[tilespmem:s25+$0xF0] =	vst v48;
	v62 =	vmul.f32 v31, v30;
	v10 =	vld.idx.msk [tilespmem:v57+s14+$0x0], $0xffff  }
0x213: {  	[tilespmem:s26+$0xFFFFFFF0] =	vst v8;
	v8 =	vmul.f32 v26, v30  }
0x214: {  	[tilespmem:s26+$0xFFFFFE70] =	vst v62;
	v9 =	vmul.f32 v58, v30  }
0x215: {  	p0 =	seq.s32 s22, $0xF;
	[tilespmem:s26+$0xFFFFFEF0] =	vst v8;
	v8 =	vmul.f32 v12, v30  }
.Ltmp7:
0x216: {  	[tilespmem:s26+$0x1F0] =	vst v9;
	v63 =	vmul.f32 v61, v30;
	(pc) =	sbr.rel @p0 .LBB2_12-.Ltmp7, $4  }
0x217: {  	s24 =	sadd.s32 $0x4000, s24;
	[tilespmem:s26+$0x170] =	vst v8;
	v8 =	vmul.f32 v10, v30  }
0x218: {  	s24 =	sshrl.u32 s24, $0x3;
	[tilespmem:s26+$0xFFFFFF70] =	vst v63  }
0x219: {  	s24 =	sadd.s32 s4, s24;
	[tilespmem:s26+$0xF0] =	vst v8  }
0x21a: {  	[hbm4b:s24+s5] =	stream.linear.scatter [tilespmem:s19], [sflag:$0x4], $0x4000, $0x38;
	[tilespmem:$0x10180] =	vst v63  }
0x21b: {  	s23 =	sadd.s32 $0x3, s23  }
0x21c: {  	s24 =	sshrl.u32 s23, $0x4  }
0x21d: {  	s23 =	sshll.u32 s23, $0xE;
	s25 =	sadd.s32 s7, s24;
	s24 =	sshll.u32 s24, $0x12  }
.Ltmp8:
0x21e: {  	s25 =	sshll.u32 s25, $0x12;
	s23 =	ssub.s32 s23, s24;
	(pc) =	sbr.rel .LBB2_2-.Ltmp8, $4  }
0x21f: {  	s23 =	sadd.s32 s25, s23  }
0x220: {  	s23 =	sshrl.u32 s23, $0x3  }
0x221: {  	s22 =	sadd.s32 $0x1, s22;
	s23 =	sadd.s32 s1, s23  }
0x222: {  	[tilespmem:s14], [sflag:$0x2] =	stream.linear.gather [hbm4b:s23+s5], $0x4000, $0x38;
	[tilespmem:$0x10180] =	vst v63  }
.LBB2_13:
0x223: {  	_ =	sfence.sel $0x180000  }
0x224: {  	[bflag:$0x0] =	sbarrier.arrive $0xFFFF  }
0x225: {  	p0 =	sne.s32 s3, $0x0;
	_ =	strace $0x90000047  }
0x226: {  	s0 =	sadd.s32 @!p0 $0x100000, s0;
	[bflag:$0x2] =	sbarrier.arrive $0xFFFF  }
0x227: {  	[sflag:s0] =	ssyncadd.tile.s32 @!p0 $0x1;
	_ =	shalt  }
.Lfunc_end2:
_tile_overlayer_lowered:
.L_overlay_start_2:
0x228: {  	(tag) =	ssettag $0x2  }
0x229: {  	s0 =	rddreg [dreg:$0x0];
	s2 =	stileid.u32  }
0x22a: {  	s1 =	rddreg [dreg:$0x1];
	p0 =	sne.s32 s2, $0x0  }
0x22b: {  	s3 =	rddreg [dreg:$0x2];
	[bflag:$0x3] =	sbarrier.arrive $0xFFFF;
	s2 =	simm.s32 @!p0 $0x1C05  }
0x22c: {  	[timem:s3], [sflag:s2] =	dma.local @!p0 [hbm:s0], s1  }
0x22d: {  	s0 =	simm.s32 @!p0 $0x5  }
0x22e: {  	_ =	swait.ge @!p0 [sflag:s0], s1  }
0x22f: {  	s1 =	ssub.s32 @!p0 $0x0, s1;
	[sflag:s0] =	ssyncset.done @!p0 $0x0  }
0x230: {  	[sflag:s0] =	ssyncadd.s32 @!p0 s1  }
0x231: {  	[bflag:$0x3] =	sbarrier.arrive $0xFFFF  }
0x232: {  	_ =	shalt  }

</sc_bundles>
